<compile_context>
chip_gen: v7x
topology: tpu7x:2x2x1
jax: 0.10.2.dev20260603
libtpu: 0.0.44.dev20260713+nightly
codegen_flags: <defaults>
</compile_context>

<pallas_src>
import functools

import jax
import jax.numpy as jnp
from jax import lax
from jax.experimental import pallas as pl
from jax.experimental.pallas import tpu as pltpu
from jax.experimental.pallas import tpu_sc as plsc

N = 10000
E = 320000
D = 128
H = 64
H3 = 32
C = 4

NC = 2
NS = 16
NW = NC * NS
CHUNK = 128
NCHUNKS = E // CHUNK
K = 80
NCPAD = NW * K
NPAD = 10240
RPT = NPAD // NS
NRT = N // NS

_f32 = jnp.float32


def _sc_mesh():
    return plsc.VectorSubcoreMesh(core_axis_name="c", subcore_axis_name="s")


@functools.partial(
    pl.kernel,
    out_type=jax.ShapeDtypeStruct((NC, NPAD), _f32),
    mesh=_sc_mesh(),
    scratch_types=[
        pltpu.VMEM((K, CHUNK), jnp.int32),
        pltpu.VMEM((CHUNK,), _f32),
        pltpu.VMEM_SHARED((NPAD,), _f32),
    ],
)
def _deg_kernel(dst3_hbm, ones_hbm, zeros_hbm, out_hbm, dst_v, ones_v, deg_sh):
    c = lax.axis_index("c")
    s = lax.axis_index("s")
    wid = c * NS + s
    pltpu.sync_copy(zeros_hbm.at[pl.ds(s * RPT, RPT)], deg_sh.at[pl.ds(s * RPT, RPT)])
    pltpu.sync_copy(dst3_hbm.at[wid], dst_v)
    pltpu.sync_copy(ones_hbm, ones_v)
    plsc.subcore_barrier()

    def body(j, carry):
        pltpu.sync_copy(ones_v, deg_sh.at[dst_v.at[j]], add=True)
        return carry

    lax.fori_loop(0, K, body, 0)
    plsc.subcore_barrier()
    pltpu.sync_copy(deg_sh.at[pl.ds(s * RPT, RPT)], out_hbm.at[c, pl.ds(s * RPT, RPT)])


def _make_agg_kernel(h):
    @functools.partial(
        pl.kernel,
        out_type=jax.ShapeDtypeStruct((NC, NPAD, h), _f32),
        mesh=_sc_mesh(),
        compiler_params=pltpu.CompilerParams(use_tc_tiling_on_sc=False),
        scratch_types=[
            pltpu.VMEM((K, CHUNK), jnp.int32),
            pltpu.VMEM((K, CHUNK), jnp.int32),
            pltpu.VMEM((CHUNK, h), _f32),
            pltpu.VMEM((CHUNK, h), _f32),
            pltpu.VMEM_SHARED((NPAD, h), _f32),
            pltpu.VMEM_SHARED((N, h), _f32),
            pltpu.SemaphoreType.DMA,
            pltpu.SemaphoreType.DMA,
        ],
    )
    def agg_kernel(src3_hbm, dst3_hbm, hs_hbm, zeros_hbm, out_hbm,
                   src_v, dst_v, msg0_v, msg1_v, agg_sh, hs_sh, sem0, sem1):
        c = lax.axis_index("c")
        s = lax.axis_index("s")
        wid = c * NS + s
        pltpu.sync_copy(zeros_hbm.at[pl.ds(s * RPT, RPT)],
                        agg_sh.at[pl.ds(s * RPT, RPT)])
        pltpu.sync_copy(hs_hbm.at[pl.ds(s * NRT, NRT)],
                        hs_sh.at[pl.ds(s * NRT, NRT)])
        pltpu.sync_copy(src3_hbm.at[wid], src_v)
        pltpu.sync_copy(dst3_hbm.at[wid], dst_v)
        plsc.subcore_barrier()

        def run_pipe(nchunks):
            pltpu.async_copy(hs_sh.at[src_v.at[0]], msg0_v, sem0)

            def body(i, carry):
                j = 2 * i
                pltpu.async_copy(hs_sh.at[src_v.at[j + 1]], msg1_v, sem1)
                pltpu.make_async_copy(hs_sh.at[src_v.at[j]], msg0_v, sem0).wait()
                pltpu.sync_copy(msg0_v, agg_sh.at[dst_v.at[j]], add=True)

                @pl.when(i < nchunks // 2 - 1)
                def _():
                    pltpu.async_copy(hs_sh.at[src_v.at[j + 2]], msg0_v, sem0)

                pltpu.make_async_copy(hs_sh.at[src_v.at[j + 1]], msg1_v, sem1).wait()
                pltpu.sync_copy(msg1_v, agg_sh.at[dst_v.at[j + 1]], add=True)
                return carry

            lax.fori_loop(0, nchunks // 2, body, 0)

        run_pipe(K)
        plsc.subcore_barrier()
        pltpu.sync_copy(agg_sh.at[pl.ds(s * RPT, RPT)],
                        out_hbm.at[c, pl.ds(s * RPT, RPT)])

    return agg_kernel


_agg64 = _make_agg_kernel(H)
_agg32 = _make_agg_kernel(H3)



def _mm_dinv_body(x_ref, w_ref, dega_ref, degb_ref, dinv_ref, hs_ref):
    deg = dega_ref[...] + degb_ref[...] + 1.0
    dinv = lax.rsqrt(deg)
    dinv_ref[...] = dinv
    h = jnp.dot(x_ref[...], w_ref[...], preferred_element_type=_f32)
    hs_ref[...] = h * dinv


def _mid_body(aggp_ref, hs_ref, dinv_ref, b_ref, w_ref, o_ref):
    dinv = dinv_ref[...]
    hcur = jnp.maximum(
        dinv * (aggp_ref[0, :N, :] + aggp_ref[1, :N, :] + hs_ref[...])
        + b_ref[...], 0.0)
    o_ref[...] = jnp.dot(hcur, w_ref[...], preferred_element_type=_f32) * dinv


def _final_body(aggp_ref, hs_ref, dinv_ref, b_ref, wc_ref, bc_ref,
                h3_ref, z_ref):
    dinv = dinv_ref[...]
    h3 = jnp.maximum(
        dinv * (aggp_ref[0, :N, :] + aggp_ref[1, :N, :] + hs_ref[...])
        + b_ref[...], 0.0)
    h3_ref[...] = h3
    z_ref[...] = jnp.dot(h3, wc_ref[...], preferred_element_type=_f32) + bc_ref[...]


def _sds(shape):
    return jax.ShapeDtypeStruct(shape, _f32)


def kernel(x, edge_index, W1, b1, W2, b2, W3, b3, Wc, bc):
    ei3 = edge_index.reshape(2, NCHUNKS, CHUNK)
    padc = NCPAD - NCHUNKS
    src3 = jnp.concatenate(
        [ei3[0], jnp.zeros((padc, CHUNK), edge_index.dtype)]).reshape(NW, K, CHUNK)
    dst3 = jnp.concatenate(
        [ei3[1], jnp.full((padc, CHUNK), N, edge_index.dtype)]).reshape(NW, K, CHUNK)
    ones = jnp.ones((CHUNK,), _f32)
    z1 = jnp.zeros((NPAD,), _f32)
    z64 = jnp.zeros((NPAD, H), _f32)
    z32 = jnp.zeros((NPAD, H3), _f32)

    degp = _deg_kernel(dst3, ones, z1)
    dinv, hs1 = pl.pallas_call(
        _mm_dinv_body, out_shape=(_sds((N, 1)), _sds((N, H))))(
        x, W1, degp[0, :N, None], degp[1, :N, None])

    agg1 = _agg64(src3, dst3, hs1, z64)
    hs2 = pl.pallas_call(_mid_body, out_shape=_sds((N, H)))(
        agg1, hs1, dinv, b1.reshape(1, H), W2)

    agg2 = _agg64(src3, dst3, hs2, z64)
    hs3 = pl.pallas_call(_mid_body, out_shape=_sds((N, H3)))(
        agg2, hs2, dinv, b2.reshape(1, H), W3)

    agg3 = _agg32(src3, dst3, hs3, z32)
    h3, z = pl.pallas_call(_final_body, out_shape=(_sds((N, H3)), _sds((N, C))))(
        agg3, hs3, dinv, b3.reshape(1, H3), Wc, bc.reshape(1, C))
    return (h3, z)

# --- scband reference (transcript-rebuilt; emitter-appended) ---
"""Pipeline reference for scband-improved-gcn-63728724738760 (READ-ONLY COPY).

The authoritative reference and input builder live on the scoring server;
editing this copy changes nothing except your own understanding.
"""

import jax, jax.numpy as jnp
import numpy as np

N = 10000
E = 320000
D = 128
H = 64
H3 = 32
C = 4


def setup_inputs(seed: int = 0) -> dict:
    key = jax.random.key(seed)
    ks = jax.random.split(key, 10)
    x = jax.random.normal(ks[0], (N, D), dtype=jnp.float32)
    edge_index = jax.random.randint(ks[1], (2, E), 0, N, dtype=jnp.int32)
    W1 = jax.random.normal(ks[2], (D, H), dtype=jnp.float32) * (1.0 / np.sqrt(D))
    b1 = jnp.zeros((H,), dtype=jnp.float32)
    W2 = jax.random.normal(ks[3], (H, H), dtype=jnp.float32) * (1.0 / np.sqrt(H))
    b2 = jnp.zeros((H,), dtype=jnp.float32)
    W3 = jax.random.normal(ks[4], (H, H3), dtype=jnp.float32) * (1.0 / np.sqrt(H))
    b3 = jnp.zeros((H3,), dtype=jnp.float32)
    Wc = jax.random.normal(ks[5], (H3, C), dtype=jnp.float32) * (1.0 / np.sqrt(H3))
    bc = jnp.zeros((C,), dtype=jnp.float32)
    return {"x": x, "edge_index": edge_index, "W1": W1, "b1": b1, "W2": W2, "b2": b2, "W3": W3, "b3": b3, "Wc": Wc, "bc": bc}


def _gcn_conv(x, edge_index, W, b):
    # PyG GCNConv: add self-loops, symmetric D^{-1/2}(A+I)D^{-1/2} normalization,
    # linear transform, scatter-add aggregation at dst, add bias.
    n = x.shape[0]
    src = edge_index[0]
    dst = edge_index[1]
    loop = jnp.arange(n, dtype=src.dtype)
    src = jnp.concatenate([src, loop])
    dst = jnp.concatenate([dst, loop])
    deg = jnp.zeros((n,), dtype=x.dtype).at[dst].add(1.0)
    dinv = jnp.where(deg > 0, jax.lax.rsqrt(deg), 0.0)
    norm = dinv[src] * dinv[dst]
    h = x @ W
    msg = jnp.take(h, src, axis=0) * norm[:, None]
    out = jax.ops.segment_sum(msg, dst, num_segments=n)
    return out + b


def reference(x, edge_index, W1, b1, W2, b2, W3, b3, Wc, bc):
    # dropout is identity in eval mode
    h1 = jax.nn.relu(_gcn_conv(x, edge_index, W1, b1))
    h2 = jax.nn.relu(_gcn_conv(h1, edge_index, W2, b2))
    h3 = jax.nn.relu(_gcn_conv(h2, edge_index, W3, b3))
    z = h3 @ Wc + bc
    return (h3, z)

if __name__ == "__main__":
    import jax
    _d = setup_inputs()
    print(jax.jit(kernel)(*tuple(_d.values())))

</pallas_src>

<mosaic_0001>
#map = affine_map<(d0, d1) -> (0, 0, 0)>
#map1 = affine_map<(d0, d1) -> (0, 0)>
module attributes {stable_mosaic.version = 14 : i64} {
  func.func @agg_kernel(%arg0: i32, %arg1: i32, %arg2: memref<32x80x128xi32, #tpu.memory_space<hbm>>, %arg3: memref<32x80x128xi32, #tpu.memory_space<hbm>>, %arg4: memref<10000x64xf32, #tpu.memory_space<hbm>>, %arg5: memref<10240x64xf32, #tpu.memory_space<hbm>>, %arg6: memref<2x10240x64xf32, #tpu.memory_space<hbm>>, %arg7: memref<80x128xi32, #tpu.memory_space<vmem>>, %arg8: memref<80x128xi32, #tpu.memory_space<vmem>>, %arg9: memref<128x64xf32, #tpu.memory_space<vmem>>, %arg10: memref<128x64xf32, #tpu.memory_space<vmem>>, %arg11: memref<10240x64xf32, #tpu.memory_space<vmem_shared>>, %arg12: memref<10000x64xf32, #tpu.memory_space<vmem_shared>>, %arg13: memref<!tpu.dma_semaphore, #tpu.memory_space<semaphore_mem>>, %arg14: memref<!tpu.dma_semaphore, #tpu.memory_space<semaphore_mem>>) attributes {dimension_semantics = [#tpu.dimension_semantics<core_parallel>, #tpu.dimension_semantics<subcore_parallel>], iteration_bounds = array<i64: 2, 16>, scalar_prefetch = 0 : i64, scratch_operands = 8 : i64, tpu.core_type = #tpu.core_type<sc_vector_subcore>, window_params = [{transform_indices = #map}, {transform_indices = #map}, {transform_indices = #map1}, {transform_indices = #map1}, {transform_indices = #map}]} {
    %mul3A = arith.constant 16 : i32
    %mul3A_0 = arith.muli %arg0, %mul3A : i32
    %add3A = arith.addi %mul3A_0, %arg1 : i32
    %mul3A_1 = arith.constant 640 : i32
    %mul3A_2 = arith.muli %arg1, %mul3A_1 : i32
    %mul3A_3 = arith.constant 640 : i32
    %mul3A_4 = arith.muli %arg1, %mul3A_3 : i32
    "tpu.region"() ({
      %run_scoped3A = tpu.sem_alloc : memref<!tpu.dma_semaphore, #tpu.memory_space<semaphore_mem>>
      %dma_start3A_25 = arith.constant 0 : i32
      %dma_start3A_26 = tpu.memref_slice %arg11[%mul3A_4, %dma_start3A_25] : memref<10240x64xf32, #tpu.memory_space<vmem_shared>> -> memref<640x64xf32, #tpu.memory_space<vmem_shared>>
      %dma_start3A_27 = arith.constant 0 : i32
      %dma_start3A_28 = tpu.memref_slice %arg5[%mul3A_2, %dma_start3A_27] : memref<10240x64xf32, #tpu.memory_space<hbm>> -> memref<640x64xf32, #tpu.memory_space<hbm>>
      tpu.enqueue_dma source(%dma_start3A_28 : memref<640x64xf32, #tpu.memory_space<hbm>>) target(%dma_start3A_26 : memref<640x64xf32, #tpu.memory_space<vmem_shared>>) target_semaphore(%run_scoped3A : memref<!tpu.dma_semaphore, #tpu.memory_space<semaphore_mem>>)
      %dma_wait3A = arith.constant 0 : i32
      %dma_wait3A_29 = tpu.memref_slice %arg11[%mul3A_4, %dma_wait3A] : memref<10240x64xf32, #tpu.memory_space<vmem_shared>> -> memref<640x64xf32, #tpu.memory_space<vmem_shared>>
      %dma_wait3A_30 = arith.constant 0 : i32
      %dma_wait3A_31 = tpu.memref_slice %arg5[%mul3A_2, %dma_wait3A_30] : memref<10240x64xf32, #tpu.memory_space<hbm>> -> memref<640x64xf32, #tpu.memory_space<hbm>>
      tpu.wait_dma2 semaphore(%run_scoped3A : memref<!tpu.dma_semaphore, #tpu.memory_space<semaphore_mem>>) src(%dma_wait3A_31 : memref<640x64xf32, #tpu.memory_space<hbm>>) dst(%dma_wait3A_29 : memref<640x64xf32, #tpu.memory_space<vmem_shared>>)
      tpu.yield
    }) : () -> ()
    %mul3A_5 = arith.constant 625 : i32
    %mul3A_6 = arith.muli %arg1, %mul3A_5 : i32
    %mul3A_7 = arith.constant 625 : i32
    %mul3A_8 = arith.muli %arg1, %mul3A_7 : i32
    "tpu.region"() ({
      %run_scoped3A = tpu.sem_alloc : memref<!tpu.dma_semaphore, #tpu.memory_space<semaphore_mem>>
      %dma_start3A_25 = arith.constant 0 : i32
      %dma_start3A_26 = tpu.memref_slice %arg12[%mul3A_8, %dma_start3A_25] : memref<10000x64xf32, #tpu.memory_space<vmem_shared>> -> memref<625x64xf32, #tpu.memory_space<vmem_shared>>
      %dma_start3A_27 = arith.constant 0 : i32
      %dma_start3A_28 = tpu.memref_slice %arg4[%mul3A_6, %dma_start3A_27] : memref<10000x64xf32, #tpu.memory_space<hbm>> -> memref<625x64xf32, #tpu.memory_space<hbm>>
      tpu.enqueue_dma source(%dma_start3A_28 : memref<625x64xf32, #tpu.memory_space<hbm>>) target(%dma_start3A_26 : memref<625x64xf32, #tpu.memory_space<vmem_shared>>) target_semaphore(%run_scoped3A : memref<!tpu.dma_semaphore, #tpu.memory_space<semaphore_mem>>)
      %dma_wait3A = arith.constant 0 : i32
      %dma_wait3A_29 = tpu.memref_slice %arg12[%mul3A_8, %dma_wait3A] : memref<10000x64xf32, #tpu.memory_space<vmem_shared>> -> memref<625x64xf32, #tpu.memory_space<vmem_shared>>
      %dma_wait3A_30 = arith.constant 0 : i32
      %dma_wait3A_31 = tpu.memref_slice %arg4[%mul3A_6, %dma_wait3A_30] : memref<10000x64xf32, #tpu.memory_space<hbm>> -> memref<625x64xf32, #tpu.memory_space<hbm>>
      tpu.wait_dma2 semaphore(%run_scoped3A : memref<!tpu.dma_semaphore, #tpu.memory_space<semaphore_mem>>) src(%dma_wait3A_31 : memref<625x64xf32, #tpu.memory_space<hbm>>) dst(%dma_wait3A_29 : memref<625x64xf32, #tpu.memory_space<vmem_shared>>)
      tpu.yield
    }) : () -> ()
    "tpu.region"() ({
      %run_scoped3A = tpu.sem_alloc : memref<!tpu.dma_semaphore, #tpu.memory_space<semaphore_mem>>
      %dma_start3A_25 = arith.constant 0 : i32
      %dma_start3A_26 = arith.constant 0 : i32
      %dma_start3A_27 = tpu.memref_slice %arg2[%add3A, %dma_start3A_25, %dma_start3A_26] : memref<32x80x128xi32, #tpu.memory_space<hbm>> -> memref<1x80x128xi32, #tpu.memory_space<hbm>>
      %dma_start3A_28 = tpu.memref_squeeze %dma_start3A_27 : memref<1x80x128xi32, #tpu.memory_space<hbm>> -> memref<80x128xi32, #tpu.memory_space<hbm>>
      %dma_start3A_29 = arith.constant 0 : i32
      %dma_start3A_30 = arith.constant 0 : i32
      %dma_start3A_31 = tpu.memref_slice %arg2[%add3A, %dma_start3A_29, %dma_start3A_30] : memref<32x80x128xi32, #tpu.memory_space<hbm>> -> memref<1x80x128xi32, #tpu.memory_space<hbm>>
      %dma_start3A_32 = tpu.memref_squeeze %dma_start3A_31 : memref<1x80x128xi32, #tpu.memory_space<hbm>> -> memref<80x128xi32, #tpu.memory_space<hbm>>
      tpu.enqueue_dma source(%dma_start3A_32 : memref<80x128xi32, #tpu.memory_space<hbm>>) target(%arg7 : memref<80x128xi32, #tpu.memory_space<vmem>>) target_semaphore(%run_scoped3A : memref<!tpu.dma_semaphore, #tpu.memory_space<semaphore_mem>>)
      %dma_wait3A = arith.constant 0 : i32
      %dma_wait3A_33 = arith.constant 0 : i32
      %dma_wait3A_34 = tpu.memref_slice %arg2[%add3A, %dma_wait3A, %dma_wait3A_33] : memref<32x80x128xi32, #tpu.memory_space<hbm>> -> memref<1x80x128xi32, #tpu.memory_space<hbm>>
      %dma_wait3A_35 = tpu.memref_squeeze %dma_wait3A_34 : memref<1x80x128xi32, #tpu.memory_space<hbm>> -> memref<80x128xi32, #tpu.memory_space<hbm>>
      %dma_wait3A_36 = arith.constant 0 : i32
      %dma_wait3A_37 = arith.constant 0 : i32
      %dma_wait3A_38 = tpu.memref_slice %arg2[%add3A, %dma_wait3A_36, %dma_wait3A_37] : memref<32x80x128xi32, #tpu.memory_space<hbm>> -> memref<1x80x128xi32, #tpu.memory_space<hbm>>
      %dma_wait3A_39 = tpu.memref_squeeze %dma_wait3A_38 : memref<1x80x128xi32, #tpu.memory_space<hbm>> -> memref<80x128xi32, #tpu.memory_space<hbm>>
      tpu.wait_dma2 semaphore(%run_scoped3A : memref<!tpu.dma_semaphore, #tpu.memory_space<semaphore_mem>>) src(%dma_wait3A_39 : memref<80x128xi32, #tpu.memory_space<hbm>>) dst(%arg7 : memref<80x128xi32, #tpu.memory_space<vmem>>)
      tpu.yield
    }) : () -> ()
    "tpu.region"() ({
      %run_scoped3A = tpu.sem_alloc : memref<!tpu.dma_semaphore, #tpu.memory_space<semaphore_mem>>
      %dma_start3A_25 = arith.constant 0 : i32
      %dma_start3A_26 = arith.constant 0 : i32
      %dma_start3A_27 = tpu.memref_slice %arg3[%add3A, %dma_start3A_25, %dma_start3A_26] : memref<32x80x128xi32, #tpu.memory_space<hbm>> -> memref<1x80x128xi32, #tpu.memory_space<hbm>>
      %dma_start3A_28 = tpu.memref_squeeze %dma_start3A_27 : memref<1x80x128xi32, #tpu.memory_space<hbm>> -> memref<80x128xi32, #tpu.memory_space<hbm>>
      %dma_start3A_29 = arith.constant 0 : i32
      %dma_start3A_30 = arith.constant 0 : i32
      %dma_start3A_31 = tpu.memref_slice %arg3[%add3A, %dma_start3A_29, %dma_start3A_30] : memref<32x80x128xi32, #tpu.memory_space<hbm>> -> memref<1x80x128xi32, #tpu.memory_space<hbm>>
      %dma_start3A_32 = tpu.memref_squeeze %dma_start3A_31 : memref<1x80x128xi32, #tpu.memory_space<hbm>> -> memref<80x128xi32, #tpu.memory_space<hbm>>
      tpu.enqueue_dma source(%dma_start3A_32 : memref<80x128xi32, #tpu.memory_space<hbm>>) target(%arg8 : memref<80x128xi32, #tpu.memory_space<vmem>>) target_semaphore(%run_scoped3A : memref<!tpu.dma_semaphore, #tpu.memory_space<semaphore_mem>>)
      %dma_wait3A = arith.constant 0 : i32
      %dma_wait3A_33 = arith.constant 0 : i32
      %dma_wait3A_34 = tpu.memref_slice %arg3[%add3A, %dma_wait3A, %dma_wait3A_33] : memref<32x80x128xi32, #tpu.memory_space<hbm>> -> memref<1x80x128xi32, #tpu.memory_space<hbm>>
      %dma_wait3A_35 = tpu.memref_squeeze %dma_wait3A_34 : memref<1x80x128xi32, #tpu.memory_space<hbm>> -> memref<80x128xi32, #tpu.memory_space<hbm>>
      %dma_wait3A_36 = arith.constant 0 : i32
      %dma_wait3A_37 = arith.constant 0 : i32
      %dma_wait3A_38 = tpu.memref_slice %arg3[%add3A, %dma_wait3A_36, %dma_wait3A_37] : memref<32x80x128xi32, #tpu.memory_space<hbm>> -> memref<1x80x128xi32, #tpu.memory_space<hbm>>
      %dma_wait3A_39 = tpu.memref_squeeze %dma_wait3A_38 : memref<1x80x128xi32, #tpu.memory_space<hbm>> -> memref<80x128xi32, #tpu.memory_space<hbm>>
      tpu.wait_dma2 semaphore(%run_scoped3A : memref<!tpu.dma_semaphore, #tpu.memory_space<semaphore_mem>>) src(%dma_wait3A_39 : memref<80x128xi32, #tpu.memory_space<hbm>>) dst(%arg8 : memref<80x128xi32, #tpu.memory_space<vmem>>)
      tpu.yield
    }) : () -> ()
    %barrier3A = arith.constant 0 : index
    tpu.barrier barrier_id(%barrier3A)
    %dma_start3A = arith.constant 0 : i32
    %dma_start3A_9 = arith.constant 0 : i32
    %dma_start3A_10 = tpu.memref_slice %arg7[%dma_start3A, %dma_start3A_9] : memref<80x128xi32, #tpu.memory_space<vmem>> -> memref<1x128xi32, #tpu.memory_space<vmem>>
    %dma_start3A_11 = tpu.memref_squeeze %dma_start3A_10 : memref<1x128xi32, #tpu.memory_space<vmem>> -> memref<128xi32, #tpu.memory_space<vmem>>
    %dma_start3A_12 = arith.constant 0 : i32
    %dma_start3A_13 = arith.constant 0 : i32
    %dma_start3A_14 = tpu.memref_slice %arg12[%dma_start3A_12, %dma_start3A_13] : memref<10000x64xf32, #tpu.memory_space<vmem_shared>> -> memref<10000x64xf32, #tpu.memory_space<vmem_shared>>
    tpu.enqueue_indirect_dma source(%dma_start3A_14 : memref<10000x64xf32, #tpu.memory_space<vmem_shared>>) target(%arg9 : memref<128x64xf32, #tpu.memory_space<vmem>>) offsets(%dma_start3A_11 : memref<128xi32, #tpu.memory_space<vmem>>) semaphore(%arg13 : memref<!tpu.dma_semaphore, #tpu.memory_space<semaphore_mem>>)
    %scan3A = arith.constant 0 : i32
    %scan3A_15 = arith.constant 0 : i32
    %scan3A_16 = arith.constant 40 : i32
    %scan3A_17 = arith.addi %scan3A_15, %scan3A_16 : i32
    %scan3A_18 = arith.constant 1 : i32
    scf.for %scan3A_25 = %scan3A_15 to %scan3A_17 step %scan3A_18  : i32 {
      %mul3A_26 = arith.constant 2 : i32
      %mul3A_27 = arith.muli %mul3A_26, %scan3A_25 : i32
      %add3A_28 = arith.constant 1 : i32
      %add3A_29 = arith.addi %mul3A_27, %add3A_28 : i32
      %dma_start3A_30 = arith.constant 0 : i32
      %dma_start3A_31 = tpu.memref_slice %arg7[%add3A_29, %dma_start3A_30] : memref<80x128xi32, #tpu.memory_space<vmem>> -> memref<1x128xi32, #tpu.memory_space<vmem>>
      %dma_start3A_32 = tpu.memref_squeeze %dma_start3A_31 : memref<1x128xi32, #tpu.memory_space<vmem>> -> memref<128xi32, #tpu.memory_space<vmem>>
      %dma_start3A_33 = arith.constant 0 : i32
      %dma_start3A_34 = arith.constant 0 : i32
      %dma_start3A_35 = tpu.memref_slice %arg12[%dma_start3A_33, %dma_start3A_34] : memref<10000x64xf32, #tpu.memory_space<vmem_shared>> -> memref<10000x64xf32, #tpu.memory_space<vmem_shared>>
      tpu.enqueue_indirect_dma source(%dma_start3A_35 : memref<10000x64xf32, #tpu.memory_space<vmem_shared>>) target(%arg10 : memref<128x64xf32, #tpu.memory_space<vmem>>) offsets(%dma_start3A_32 : memref<128xi32, #tpu.memory_space<vmem>>) semaphore(%arg14 : memref<!tpu.dma_semaphore, #tpu.memory_space<semaphore_mem>>)
      %dma_wait3A = arith.constant 0 : i32
      %dma_wait3A_36 = tpu.memref_slice %arg7[%mul3A_27, %dma_wait3A] : memref<80x128xi32, #tpu.memory_space<vmem>> -> memref<1x128xi32, #tpu.memory_space<vmem>>
      %dma_wait3A_37 = tpu.memref_squeeze %dma_wait3A_36 : memref<1x128xi32, #tpu.memory_space<vmem>> -> memref<128xi32, #tpu.memory_space<vmem>>
      %dma_wait3A_38 = arith.constant 0 : i32
      %dma_wait3A_39 = arith.constant 0 : i32
      %dma_wait3A_40 = tpu.memref_slice %arg12[%dma_wait3A_38, %dma_wait3A_39] : memref<10000x64xf32, #tpu.memory_space<vmem_shared>> -> memref<10000x64xf32, #tpu.memory_space<vmem_shared>>
      tpu.wait_indirect_dma semaphore(%arg13 : memref<!tpu.dma_semaphore, #tpu.memory_space<semaphore_mem>>) src(%dma_wait3A_40 : memref<10000x64xf32, #tpu.memory_space<vmem_shared>>) dst(%arg9 : memref<128x64xf32, #tpu.memory_space<vmem>>)
      "tpu.region"() ({
        %run_scoped3A = tpu.sem_alloc : memref<!tpu.dma_semaphore, #tpu.memory_space<semaphore_mem>>
        %dma_start3A_53 = arith.constant 0 : i32
        %dma_start3A_54 = tpu.memref_slice %arg8[%mul3A_27, %dma_start3A_53] : memref<80x128xi32, #tpu.memory_space<vmem>> -> memref<1x128xi32, #tpu.memory_space<vmem>>
        %dma_start3A_55 = tpu.memref_squeeze %dma_start3A_54 : memref<1x128xi32, #tpu.memory_space<vmem>> -> memref<128xi32, #tpu.memory_space<vmem>>
        %dma_start3A_56 = arith.constant 0 : i32
        %dma_start3A_57 = arith.constant 0 : i32
        %dma_start3A_58 = tpu.memref_slice %arg11[%dma_start3A_56, %dma_start3A_57] : memref<10240x64xf32, #tpu.memory_space<vmem_shared>> -> memref<10240x64xf32, #tpu.memory_space<vmem_shared>>
        tpu.enqueue_indirect_dma source(%arg9 : memref<128x64xf32, #tpu.memory_space<vmem>>) target(%dma_start3A_58 : memref<10240x64xf32, #tpu.memory_space<vmem_shared>>) offsets(%dma_start3A_55 : memref<128xi32, #tpu.memory_space<vmem>>) semaphore(%run_scoped3A : memref<!tpu.dma_semaphore, #tpu.memory_space<semaphore_mem>>) {add = true}
        %dma_wait3A_59 = arith.constant 0 : i32
        %dma_wait3A_60 = tpu.memref_slice %arg8[%mul3A_27, %dma_wait3A_59] : memref<80x128xi32, #tpu.memory_space<vmem>> -> memref<1x128xi32, #tpu.memory_space<vmem>>
        %dma_wait3A_61 = tpu.memref_squeeze %dma_wait3A_60 : memref<1x128xi32, #tpu.memory_space<vmem>> -> memref<128xi32, #tpu.memory_space<vmem>>
        %dma_wait3A_62 = arith.constant 0 : i32
        %dma_wait3A_63 = arith.constant 0 : i32
        %dma_wait3A_64 = tpu.memref_slice %arg11[%dma_wait3A_62, %dma_wait3A_63] : memref<10240x64xf32, #tpu.memory_space<vmem_shared>> -> memref<10240x64xf32, #tpu.memory_space<vmem_shared>>
        tpu.wait_indirect_dma semaphore(%run_scoped3A : memref<!tpu.dma_semaphore, #tpu.memory_space<semaphore_mem>>) src(%arg9 : memref<128x64xf32, #tpu.memory_space<vmem>>) dst(%dma_wait3A_64 : memref<10240x64xf32, #tpu.memory_space<vmem_shared>>)
        tpu.yield
      }) : () -> ()
      %lt3A = arith.constant 39 : i32
      %lt3A_41 = arith.cmpi slt, %scan3A_25, %lt3A : i32
      %convert_element_type3A = arith.extui %lt3A_41 : i1 to i32
      %cond3A = arith.constant 0 : i32
      %cond3A_42 = arith.cmpi ne, %convert_element_type3A, %cond3A : i32
      scf.if %cond3A_42 {
        %add3A_53 = arith.constant 2 : i32
        %add3A_54 = arith.addi %mul3A_27, %add3A_53 : i32
        %dma_start3A_55 = arith.constant 0 : i32
        %dma_start3A_56 = tpu.memref_slice %arg7[%add3A_54, %dma_start3A_55] : memref<80x128xi32, #tpu.memory_space<vmem>> -> memref<1x128xi32, #tpu.memory_space<vmem>>
        %dma_start3A_57 = tpu.memref_squeeze %dma_start3A_56 : memref<1x128xi32, #tpu.memory_space<vmem>> -> memref<128xi32, #tpu.memory_space<vmem>>
        %dma_start3A_58 = arith.constant 0 : i32
        %dma_start3A_59 = arith.constant 0 : i32
        %dma_start3A_60 = tpu.memref_slice %arg12[%dma_start3A_58, %dma_start3A_59] : memref<10000x64xf32, #tpu.memory_space<vmem_shared>> -> memref<10000x64xf32, #tpu.memory_space<vmem_shared>>
        tpu.enqueue_indirect_dma source(%dma_start3A_60 : memref<10000x64xf32, #tpu.memory_space<vmem_shared>>) target(%arg9 : memref<128x64xf32, #tpu.memory_space<vmem>>) offsets(%dma_start3A_57 : memref<128xi32, #tpu.memory_space<vmem>>) semaphore(%arg13 : memref<!tpu.dma_semaphore, #tpu.memory_space<semaphore_mem>>)
      } else {
      }
      %add3A_43 = arith.constant 1 : i32
      %add3A_44 = arith.addi %mul3A_27, %add3A_43 : i32
      %dma_wait3A_45 = arith.constant 0 : i32
      %dma_wait3A_46 = tpu.memref_slice %arg7[%add3A_44, %dma_wait3A_45] : memref<80x128xi32, #tpu.memory_space<vmem>> -> memref<1x128xi32, #tpu.memory_space<vmem>>
      %dma_wait3A_47 = tpu.memref_squeeze %dma_wait3A_46 : memref<1x128xi32, #tpu.memory_space<vmem>> -> memref<128xi32, #tpu.memory_space<vmem>>
      %dma_wait3A_48 = arith.constant 0 : i32
      %dma_wait3A_49 = arith.constant 0 : i32
      %dma_wait3A_50 = tpu.memref_slice %arg12[%dma_wait3A_48, %dma_wait3A_49] : memref<10000x64xf32, #tpu.memory_space<vmem_shared>> -> memref<10000x64xf32, #tpu.memory_space<vmem_shared>>
      tpu.wait_indirect_dma semaphore(%arg14 : memref<!tpu.dma_semaphore, #tpu.memory_space<semaphore_mem>>) src(%dma_wait3A_50 : memref<10000x64xf32, #tpu.memory_space<vmem_shared>>) dst(%arg10 : memref<128x64xf32, #tpu.memory_space<vmem>>)
      %add3A_51 = arith.constant 1 : i32
      %add3A_52 = arith.addi %mul3A_27, %add3A_51 : i32
      "tpu.region"() ({
        %run_scoped3A = tpu.sem_alloc : memref<!tpu.dma_semaphore, #tpu.memory_space<semaphore_mem>>
        %dma_start3A_53 = arith.constant 0 : i32
        %dma_start3A_54 = tpu.memref_slice %arg8[%add3A_52, %dma_start3A_53] : memref<80x128xi32, #tpu.memory_space<vmem>> -> memref<1x128xi32, #tpu.memory_space<vmem>>
        %dma_start3A_55 = tpu.memref_squeeze %dma_start3A_54 : memref<1x128xi32, #tpu.memory_space<vmem>> -> memref<128xi32, #tpu.memory_space<vmem>>
        %dma_start3A_56 = arith.constant 0 : i32
        %dma_start3A_57 = arith.constant 0 : i32
        %dma_start3A_58 = tpu.memref_slice %arg11[%dma_start3A_56, %dma_start3A_57] : memref<10240x64xf32, #tpu.memory_space<vmem_shared>> -> memref<10240x64xf32, #tpu.memory_space<vmem_shared>>
        tpu.enqueue_indirect_dma source(%arg10 : memref<128x64xf32, #tpu.memory_space<vmem>>) target(%dma_start3A_58 : memref<10240x64xf32, #tpu.memory_space<vmem_shared>>) offsets(%dma_start3A_55 : memref<128xi32, #tpu.memory_space<vmem>>) semaphore(%run_scoped3A : memref<!tpu.dma_semaphore, #tpu.memory_space<semaphore_mem>>) {add = true}
        %dma_wait3A_59 = arith.constant 0 : i32
        %dma_wait3A_60 = tpu.memref_slice %arg8[%add3A_52, %dma_wait3A_59] : memref<80x128xi32, #tpu.memory_space<vmem>> -> memref<1x128xi32, #tpu.memory_space<vmem>>
        %dma_wait3A_61 = tpu.memref_squeeze %dma_wait3A_60 : memref<1x128xi32, #tpu.memory_space<vmem>> -> memref<128xi32, #tpu.memory_space<vmem>>
        %dma_wait3A_62 = arith.constant 0 : i32
        %dma_wait3A_63 = arith.constant 0 : i32
        %dma_wait3A_64 = tpu.memref_slice %arg11[%dma_wait3A_62, %dma_wait3A_63] : memref<10240x64xf32, #tpu.memory_space<vmem_shared>> -> memref<10240x64xf32, #tpu.memory_space<vmem_shared>>
        tpu.wait_indirect_dma semaphore(%run_scoped3A : memref<!tpu.dma_semaphore, #tpu.memory_space<semaphore_mem>>) src(%arg10 : memref<128x64xf32, #tpu.memory_space<vmem>>) dst(%dma_wait3A_64 : memref<10240x64xf32, #tpu.memory_space<vmem_shared>>)
        tpu.yield
      }) : () -> ()
    }
    %scan3A_19 = arith.constant 40 : i32
    %barrier3A_20 = arith.constant 0 : index
    tpu.barrier barrier_id(%barrier3A_20)
    %mul3A_21 = arith.constant 640 : i32
    %mul3A_22 = arith.muli %arg1, %mul3A_21 : i32
    %mul3A_23 = arith.constant 640 : i32
    %mul3A_24 = arith.muli %arg1, %mul3A_23 : i32
    "tpu.region"() ({
      %run_scoped3A = tpu.sem_alloc : memref<!tpu.dma_semaphore, #tpu.memory_space<semaphore_mem>>
      %dma_start3A_25 = arith.constant 0 : i32
      %dma_start3A_26 = tpu.memref_slice %arg6[%arg0, %mul3A_24, %dma_start3A_25] : memref<2x10240x64xf32, #tpu.memory_space<hbm>> -> memref<1x640x64xf32, #tpu.memory_space<hbm>>
      %dma_start3A_27 = tpu.memref_squeeze %dma_start3A_26 : memref<1x640x64xf32, #tpu.memory_space<hbm>> -> memref<640x64xf32, #tpu.memory_space<hbm>>
      %dma_start3A_28 = arith.constant 0 : i32
      %dma_start3A_29 = tpu.memref_slice %arg11[%mul3A_22, %dma_start3A_28] : memref<10240x64xf32, #tpu.memory_space<vmem_shared>> -> memref<640x64xf32, #tpu.memory_space<vmem_shared>>
      tpu.enqueue_dma source(%dma_start3A_29 : memref<640x64xf32, #tpu.memory_space<vmem_shared>>) target(%dma_start3A_27 : memref<640x64xf32, #tpu.memory_space<hbm>>) target_semaphore(%run_scoped3A : memref<!tpu.dma_semaphore, #tpu.memory_space<semaphore_mem>>)
      %dma_wait3A = arith.constant 0 : i32
      %dma_wait3A_30 = tpu.memref_slice %arg6[%arg0, %mul3A_24, %dma_wait3A] : memref<2x10240x64xf32, #tpu.memory_space<hbm>> -> memref<1x640x64xf32, #tpu.memory_space<hbm>>
      %dma_wait3A_31 = tpu.memref_squeeze %dma_wait3A_30 : memref<1x640x64xf32, #tpu.memory_space<hbm>> -> memref<640x64xf32, #tpu.memory_space<hbm>>
      %dma_wait3A_32 = arith.constant 0 : i32
      %dma_wait3A_33 = tpu.memref_slice %arg11[%mul3A_22, %dma_wait3A_32] : memref<10240x64xf32, #tpu.memory_space<vmem_shared>> -> memref<640x64xf32, #tpu.memory_space<vmem_shared>>
      tpu.wait_dma2 semaphore(%run_scoped3A : memref<!tpu.dma_semaphore, #tpu.memory_space<semaphore_mem>>) src(%dma_wait3A_33 : memref<640x64xf32, #tpu.memory_space<vmem_shared>>) dst(%dma_wait3A_31 : memref<640x64xf32, #tpu.memory_space<hbm>>)
      tpu.yield
    }) : () -> ()
    return
  }
}

#map = affine_map<(d0, d1) -> (0, 0, 0)>
#map1 = affine_map<(d0, d1) -> (0, 0)>
module attributes {stable_mosaic.version = 14 : i64} {
  func.func @agg_kernel(%arg0: i32, %arg1: i32, %arg2: memref<32x80x128xi32, #tpu.memory_space<hbm>>, %arg3: memref<32x80x128xi32, #tpu.memory_space<hbm>>, %arg4: memref<10000x64xf32, #tpu.memory_space<hbm>>, %arg5: memref<10240x64xf32, #tpu.memory_space<hbm>>, %arg6: memref<2x10240x64xf32, #tpu.memory_space<hbm>>, %arg7: memref<80x128xi32, #tpu.memory_space<vmem>>, %arg8: memref<80x128xi32, #tpu.memory_space<vmem>>, %arg9: memref<128x64xf32, #tpu.memory_space<vmem>>, %arg10: memref<128x64xf32, #tpu.memory_space<vmem>>, %arg11: memref<10240x64xf32, #tpu.memory_space<vmem_shared>>, %arg12: memref<10000x64xf32, #tpu.memory_space<vmem_shared>>, %arg13: memref<!tpu.dma_semaphore, #tpu.memory_space<semaphore_mem>>, %arg14: memref<!tpu.dma_semaphore, #tpu.memory_space<semaphore_mem>>) attributes {dimension_semantics = [#tpu.dimension_semantics<core_parallel>, #tpu.dimension_semantics<subcore_parallel>], iteration_bounds = array<i64: 2, 16>, scalar_prefetch = 0 : i64, scratch_operands = 8 : i64, tpu.core_type = #tpu.core_type<sc_vector_subcore>, window_params = [{transform_indices = #map}, {transform_indices = #map}, {transform_indices = #map1}, {transform_indices = #map1}, {transform_indices = #map}]} {
    %mul3A = arith.constant 16 : i32
    %mul3A_0 = arith.muli %arg0, %mul3A : i32
    %add3A = arith.addi %mul3A_0, %arg1 : i32
    %mul3A_1 = arith.constant 640 : i32
    %mul3A_2 = arith.muli %arg1, %mul3A_1 : i32
    %mul3A_3 = arith.constant 640 : i32
    %mul3A_4 = arith.muli %arg1, %mul3A_3 : i32
    "tpu.region"() ({
      %run_scoped3A = tpu.sem_alloc : memref<!tpu.dma_semaphore, #tpu.memory_space<semaphore_mem>>
      %dma_start3A_25 = arith.constant 0 : i32
      %dma_start3A_26 = tpu.memref_slice %arg11[%mul3A_4, %dma_start3A_25] : memref<10240x64xf32, #tpu.memory_space<vmem_shared>> -> memref<640x64xf32, #tpu.memory_space<vmem_shared>>
      %dma_start3A_27 = arith.constant 0 : i32
      %dma_start3A_28 = tpu.memref_slice %arg5[%mul3A_2, %dma_start3A_27] : memref<10240x64xf32, #tpu.memory_space<hbm>> -> memref<640x64xf32, #tpu.memory_space<hbm>>
      tpu.enqueue_dma source(%dma_start3A_28 : memref<640x64xf32, #tpu.memory_space<hbm>>) target(%dma_start3A_26 : memref<640x64xf32, #tpu.memory_space<vmem_shared>>) target_semaphore(%run_scoped3A : memref<!tpu.dma_semaphore, #tpu.memory_space<semaphore_mem>>)
      %dma_wait3A = arith.constant 0 : i32
      %dma_wait3A_29 = tpu.memref_slice %arg11[%mul3A_4, %dma_wait3A] : memref<10240x64xf32, #tpu.memory_space<vmem_shared>> -> memref<640x64xf32, #tpu.memory_space<vmem_shared>>
      %dma_wait3A_30 = arith.constant 0 : i32
      %dma_wait3A_31 = tpu.memref_slice %arg5[%mul3A_2, %dma_wait3A_30] : memref<10240x64xf32, #tpu.memory_space<hbm>> -> memref<640x64xf32, #tpu.memory_space<hbm>>
      tpu.wait_dma2 semaphore(%run_scoped3A : memref<!tpu.dma_semaphore, #tpu.memory_space<semaphore_mem>>) src(%dma_wait3A_31 : memref<640x64xf32, #tpu.memory_space<hbm>>) dst(%dma_wait3A_29 : memref<640x64xf32, #tpu.memory_space<vmem_shared>>)
      tpu.yield
    }) : () -> ()
    %mul3A_5 = arith.constant 625 : i32
    %mul3A_6 = arith.muli %arg1, %mul3A_5 : i32
    %mul3A_7 = arith.constant 625 : i32
    %mul3A_8 = arith.muli %arg1, %mul3A_7 : i32
    "tpu.region"() ({
      %run_scoped3A = tpu.sem_alloc : memref<!tpu.dma_semaphore, #tpu.memory_space<semaphore_mem>>
      %dma_start3A_25 = arith.constant 0 : i32
      %dma_start3A_26 = tpu.memref_slice %arg12[%mul3A_8, %dma_start3A_25] : memref<10000x64xf32, #tpu.memory_space<vmem_shared>> -> memref<625x64xf32, #tpu.memory_space<vmem_shared>>
      %dma_start3A_27 = arith.constant 0 : i32
      %dma_start3A_28 = tpu.memref_slice %arg4[%mul3A_6, %dma_start3A_27] : memref<10000x64xf32, #tpu.memory_space<hbm>> -> memref<625x64xf32, #tpu.memory_space<hbm>>
      tpu.enqueue_dma source(%dma_start3A_28 : memref<625x64xf32, #tpu.memory_space<hbm>>) target(%dma_start3A_26 : memref<625x64xf32, #tpu.memory_space<vmem_shared>>) target_semaphore(%run_scoped3A : memref<!tpu.dma_semaphore, #tpu.memory_space<semaphore_mem>>)
      %dma_wait3A = arith.constant 0 : i32
      %dma_wait3A_29 = tpu.memref_slice %arg12[%mul3A_8, %dma_wait3A] : memref<10000x64xf32, #tpu.memory_space<vmem_shared>> -> memref<625x64xf32, #tpu.memory_space<vmem_shared>>
      %dma_wait3A_30 = arith.constant 0 : i32
      %dma_wait3A_31 = tpu.memref_slice %arg4[%mul3A_6, %dma_wait3A_30] : memref<10000x64xf32, #tpu.memory_space<hbm>> -> memref<625x64xf32, #tpu.memory_space<hbm>>
      tpu.wait_dma2 semaphore(%run_scoped3A : memref<!tpu.dma_semaphore, #tpu.memory_space<semaphore_mem>>) src(%dma_wait3A_31 : memref<625x64xf32, #tpu.memory_space<hbm>>) dst(%dma_wait3A_29 : memref<625x64xf32, #tpu.memory_space<vmem_shared>>)
      tpu.yield
    }) : () -> ()
    "tpu.region"() ({
      %run_scoped3A = tpu.sem_alloc : memref<!tpu.dma_semaphore, #tpu.memory_space<semaphore_mem>>
      %dma_start3A_25 = arith.constant 0 : i32
      %dma_start3A_26 = arith.constant 0 : i32
      %dma_start3A_27 = tpu.memref_slice %arg2[%add3A, %dma_start3A_25, %dma_start3A_26] : memref<32x80x128xi32, #tpu.memory_space<hbm>> -> memref<1x80x128xi32, #tpu.memory_space<hbm>>
      %dma_start3A_28 = tpu.memref_squeeze %dma_start3A_27 : memref<1x80x128xi32, #tpu.memory_space<hbm>> -> memref<80x128xi32, #tpu.memory_space<hbm>>
      %dma_start3A_29 = arith.constant 0 : i32
      %dma_start3A_30 = arith.constant 0 : i32
      %dma_start3A_31 = tpu.memref_slice %arg2[%add3A, %dma_start3A_29, %dma_start3A_30] : memref<32x80x128xi32, #tpu.memory_space<hbm>> -> memref<1x80x128xi32, #tpu.memory_space<hbm>>
      %dma_start3A_32 = tpu.memref_squeeze %dma_start3A_31 : memref<1x80x128xi32, #tpu.memory_space<hbm>> -> memref<80x128xi32, #tpu.memory_space<hbm>>
      tpu.enqueue_dma source(%dma_start3A_32 : memref<80x128xi32, #tpu.memory_space<hbm>>) target(%arg7 : memref<80x128xi32, #tpu.memory_space<vmem>>) target_semaphore(%run_scoped3A : memref<!tpu.dma_semaphore, #tpu.memory_space<semaphore_mem>>)
      %dma_wait3A = arith.constant 0 : i32
      %dma_wait3A_33 = arith.constant 0 : i32
      %dma_wait3A_34 = tpu.memref_slice %arg2[%add3A, %dma_wait3A, %dma_wait3A_33] : memref<32x80x128xi32, #tpu.memory_space<hbm>> -> memref<1x80x128xi32, #tpu.memory_space<hbm>>
      %dma_wait3A_35 = tpu.memref_squeeze %dma_wait3A_34 : memref<1x80x128xi32, #tpu.memory_space<hbm>> -> memref<80x128xi32, #tpu.memory_space<hbm>>
      %dma_wait3A_36 = arith.constant 0 : i32
      %dma_wait3A_37 = arith.constant 0 : i32
      %dma_wait3A_38 = tpu.memref_slice %arg2[%add3A, %dma_wait3A_36, %dma_wait3A_37] : memref<32x80x128xi32, #tpu.memory_space<hbm>> -> memref<1x80x128xi32, #tpu.memory_space<hbm>>
      %dma_wait3A_39 = tpu.memref_squeeze %dma_wait3A_38 : memref<1x80x128xi32, #tpu.memory_space<hbm>> -> memref<80x128xi32, #tpu.memory_space<hbm>>
      tpu.wait_dma2 semaphore(%run_scoped3A : memref<!tpu.dma_semaphore, #tpu.memory_space<semaphore_mem>>) src(%dma_wait3A_39 : memref<80x128xi32, #tpu.memory_space<hbm>>) dst(%arg7 : memref<80x128xi32, #tpu.memory_space<vmem>>)
      tpu.yield
    }) : () -> ()
    "tpu.region"() ({
      %run_scoped3A = tpu.sem_alloc : memref<!tpu.dma_semaphore, #tpu.memory_space<semaphore_mem>>
      %dma_start3A_25 = arith.constant 0 : i32
      %dma_start3A_26 = arith.constant 0 : i32
      %dma_start3A_27 = tpu.memref_slice %arg3[%add3A, %dma_start3A_25, %dma_start3A_26] : memref<32x80x128xi32, #tpu.memory_space<hbm>> -> memref<1x80x128xi32, #tpu.memory_space<hbm>>
      %dma_start3A_28 = tpu.memref_squeeze %dma_start3A_27 : memref<1x80x128xi32, #tpu.memory_space<hbm>> -> memref<80x128xi32, #tpu.memory_space<hbm>>
      %dma_start3A_29 = arith.constant 0 : i32
      %dma_start3A_30 = arith.constant 0 : i32
      %dma_start3A_31 = tpu.memref_slice %arg3[%add3A, %dma_start3A_29, %dma_start3A_30] : memref<32x80x128xi32, #tpu.memory_space<hbm>> -> memref<1x80x128xi32, #tpu.memory_space<hbm>>
      %dma_start3A_32 = tpu.memref_squeeze %dma_start3A_31 : memref<1x80x128xi32, #tpu.memory_space<hbm>> -> memref<80x128xi32, #tpu.memory_space<hbm>>
      tpu.enqueue_dma source(%dma_start3A_32 : memref<80x128xi32, #tpu.memory_space<hbm>>) target(%arg8 : memref<80x128xi32, #tpu.memory_space<vmem>>) target_semaphore(%run_scoped3A : memref<!tpu.dma_semaphore, #tpu.memory_space<semaphore_mem>>)
      %dma_wait3A = arith.constant 0 : i32
      %dma_wait3A_33 = arith.constant 0 : i32
      %dma_wait3A_34 = tpu.memref_slice %arg3[%add3A, %dma_wait3A, %dma_wait3A_33] : memref<32x80x128xi32, #tpu.memory_space<hbm>> -> memref<1x80x128xi32, #tpu.memory_space<hbm>>
      %dma_wait3A_35 = tpu.memref_squeeze %dma_wait3A_34 : memref<1x80x128xi32, #tpu.memory_space<hbm>> -> memref<80x128xi32, #tpu.memory_space<hbm>>
      %dma_wait3A_36 = arith.constant 0 : i32
      %dma_wait3A_37 = arith.constant 0 : i32
      %dma_wait3A_38 = tpu.memref_slice %arg3[%add3A, %dma_wait3A_36, %dma_wait3A_37] : memref<32x80x128xi32, #tpu.memory_space<hbm>> -> memref<1x80x128xi32, #tpu.memory_space<hbm>>
      %dma_wait3A_39 = tpu.memref_squeeze %dma_wait3A_38 : memref<1x80x128xi32, #tpu.memory_space<hbm>> -> memref<80x128xi32, #tpu.memory_space<hbm>>
      tpu.wait_dma2 semaphore(%run_scoped3A : memref<!tpu.dma_semaphore, #tpu.memory_space<semaphore_mem>>) src(%dma_wait3A_39 : memref<80x128xi32, #tpu.memory_space<hbm>>) dst(%arg8 : memref<80x128xi32, #tpu.memory_space<vmem>>)
      tpu.yield
    }) : () -> ()
    %barrier3A = arith.constant 0 : index
    tpu.barrier barrier_id(%barrier3A)
    %dma_start3A = arith.constant 0 : i32
    %dma_start3A_9 = arith.constant 0 : i32
    %dma_start3A_10 = tpu.memref_slice %arg7[%dma_start3A, %dma_start3A_9] : memref<80x128xi32, #tpu.memory_space<vmem>> -> memref<1x128xi32, #tpu.memory_space<vmem>>
    %dma_start3A_11 = tpu.memref_squeeze %dma_start3A_10 : memref<1x128xi32, #tpu.memory_space<vmem>> -> memref<128xi32, #tpu.memory_space<vmem>>
    %dma_start3A_12 = arith.constant 0 : i32
    %dma_start3A_13 = arith.constant 0 : i32
    %dma_start3A_14 = tpu.memref_slice %arg12[%dma_start3A_12, %dma_start3A_13] : memref<10000x64xf32, #tpu.memory_space<vmem_shared>> -> memref<10000x64xf32, #tpu.memory_space<vmem_shared>>
    tpu.enqueue_indirect_dma source(%dma_start3A_14 : memref<10000x64xf32, #tpu.memory_space<vmem_shared>>) target(%arg9 : memref<128x64xf32, #tpu.memory_space<vmem>>) offsets(%dma_start3A_11 : memref<128xi32, #tpu.memory_space<vmem>>) semaphore(%arg13 : memref<!tpu.dma_semaphore, #tpu.memory_space<semaphore_mem>>)
    %scan3A = arith.constant 0 : i32
    %scan3A_15 = arith.constant 0 : i32
    %scan3A_16 = arith.constant 40 : i32
    %scan3A_17 = arith.addi %scan3A_15, %scan3A_16 : i32
    %scan3A_18 = arith.constant 1 : i32
    scf.for %scan3A_25 = %scan3A_15 to %scan3A_17 step %scan3A_18  : i32 {
      %mul3A_26 = arith.constant 2 : i32
      %mul3A_27 = arith.muli %mul3A_26, %scan3A_25 : i32
      %add3A_28 = arith.constant 1 : i32
      %add3A_29 = arith.addi %mul3A_27, %add3A_28 : i32
      %dma_start3A_30 = arith.constant 0 : i32
      %dma_start3A_31 = tpu.memref_slice %arg7[%add3A_29, %dma_start3A_30] : memref<80x128xi32, #tpu.memory_space<vmem>> -> memref<1x128xi32, #tpu.memory_space<vmem>>
      %dma_start3A_32 = tpu.memref_squeeze %dma_start3A_31 : memref<1x128xi32, #tpu.memory_space<vmem>> -> memref<128xi32, #tpu.memory_space<vmem>>
      %dma_start3A_33 = arith.constant 0 : i32
      %dma_start3A_34 = arith.constant 0 : i32
      %dma_start3A_35 = tpu.memref_slice %arg12[%dma_start3A_33, %dma_start3A_34] : memref<10000x64xf32, #tpu.memory_space<vmem_shared>> -> memref<10000x64xf32, #tpu.memory_space<vmem_shared>>
      tpu.enqueue_indirect_dma source(%dma_start3A_35 : memref<10000x64xf32, #tpu.memory_space<vmem_shared>>) target(%arg10 : memref<128x64xf32, #tpu.memory_space<vmem>>) offsets(%dma_start3A_32 : memref<128xi32, #tpu.memory_space<vmem>>) semaphore(%arg14 : memref<!tpu.dma_semaphore, #tpu.memory_space<semaphore_mem>>)
      %dma_wait3A = arith.constant 0 : i32
      %dma_wait3A_36 = tpu.memref_slice %arg7[%mul3A_27, %dma_wait3A] : memref<80x128xi32, #tpu.memory_space<vmem>> -> memref<1x128xi32, #tpu.memory_space<vmem>>
      %dma_wait3A_37 = tpu.memref_squeeze %dma_wait3A_36 : memref<1x128xi32, #tpu.memory_space<vmem>> -> memref<128xi32, #tpu.memory_space<vmem>>
      %dma_wait3A_38 = arith.constant 0 : i32
      %dma_wait3A_39 = arith.constant 0 : i32
      %dma_wait3A_40 = tpu.memref_slice %arg12[%dma_wait3A_38, %dma_wait3A_39] : memref<10000x64xf32, #tpu.memory_space<vmem_shared>> -> memref<10000x64xf32, #tpu.memory_space<vmem_shared>>
      tpu.wait_indirect_dma semaphore(%arg13 : memref<!tpu.dma_semaphore, #tpu.memory_space<semaphore_mem>>) src(%dma_wait3A_40 : memref<10000x64xf32, #tpu.memory_space<vmem_shared>>) dst(%arg9 : memref<128x64xf32, #tpu.memory_space<vmem>>)
      "tpu.region"() ({
        %run_scoped3A = tpu.sem_alloc : memref<!tpu.dma_semaphore, #tpu.memory_space<semaphore_mem>>
        %dma_start3A_53 = arith.constant 0 : i32
        %dma_start3A_54 = tpu.memref_slice %arg8[%mul3A_27, %dma_start3A_53] : memref<80x128xi32, #tpu.memory_space<vmem>> -> memref<1x128xi32, #tpu.memory_space<vmem>>
        %dma_start3A_55 = tpu.memref_squeeze %dma_start3A_54 : memref<1x128xi32, #tpu.memory_space<vmem>> -> memref<128xi32, #tpu.memory_space<vmem>>
        %dma_start3A_56 = arith.constant 0 : i32
        %dma_start3A_57 = arith.constant 0 : i32
        %dma_start3A_58 = tpu.memref_slice %arg11[%dma_start3A_56, %dma_start3A_57] : memref<10240x64xf32, #tpu.memory_space<vmem_shared>> -> memref<10240x64xf32, #tpu.memory_space<vmem_shared>>
        tpu.enqueue_indirect_dma source(%arg9 : memref<128x64xf32, #tpu.memory_space<vmem>>) target(%dma_start3A_58 : memref<10240x64xf32, #tpu.memory_space<vmem_shared>>) offsets(%dma_start3A_55 : memref<128xi32, #tpu.memory_space<vmem>>) semaphore(%run_scoped3A : memref<!tpu.dma_semaphore, #tpu.memory_space<semaphore_mem>>) {add = true}
        %dma_wait3A_59 = arith.constant 0 : i32
        %dma_wait3A_60 = tpu.memref_slice %arg8[%mul3A_27, %dma_wait3A_59] : memref<80x128xi32, #tpu.memory_space<vmem>> -> memref<1x128xi32, #tpu.memory_space<vmem>>
        %dma_wait3A_61 = tpu.memref_squeeze %dma_wait3A_60 : memref<1x128xi32, #tpu.memory_space<vmem>> -> memref<128xi32, #tpu.memory_space<vmem>>
        %dma_wait3A_62 = arith.constant 0 : i32
        %dma_wait3A_63 = arith.constant 0 : i32
        %dma_wait3A_64 = tpu.memref_slice %arg11[%dma_wait3A_62, %dma_wait3A_63] : memref<10240x64xf32, #tpu.memory_space<vmem_shared>> -> memref<10240x64xf32, #tpu.memory_space<vmem_shared>>
        tpu.wait_indirect_dma semaphore(%run_scoped3A : memref<!tpu.dma_semaphore, #tpu.memory_space<semaphore_mem>>) src(%arg9 : memref<128x64xf32, #tpu.memory_space<vmem>>) dst(%dma_wait3A_64 : memref<10240x64xf32, #tpu.memory_space<vmem_shared>>)
        tpu.yield
      }) : () -> ()
      %lt3A = arith.constant 39 : i32
      %lt3A_41 = arith.cmpi slt, %scan3A_25, %lt3A : i32
      %convert_element_type3A = arith.extui %lt3A_41 : i1 to i32
      %cond3A = arith.constant 0 : i32
      %cond3A_42 = arith.cmpi ne, %convert_element_type3A, %cond3A : i32
      scf.if %cond3A_42 {
        %add3A_53 = arith.constant 2 : i32
        %add3A_54 = arith.addi %mul3A_27, %add3A_53 : i32
        %dma_start3A_55 = arith.constant 0 : i32
        %dma_start3A_56 = tpu.memref_slice %arg7[%add3A_54, %dma_start3A_55] : memref<80x128xi32, #tpu.memory_space<vmem>> -> memref<1x128xi32, #tpu.memory_space<vmem>>
        %dma_start3A_57 = tpu.memref_squeeze %dma_start3A_56 : memref<1x128xi32, #tpu.memory_space<vmem>> -> memref<128xi32, #tpu.memory_space<vmem>>
        %dma_start3A_58 = arith.constant 0 : i32
        %dma_start3A_59 = arith.constant 0 : i32
        %dma_start3A_60 = tpu.memref_slice %arg12[%dma_start3A_58, %dma_start3A_59] : memref<10000x64xf32, #tpu.memory_space<vmem_shared>> -> memref<10000x64xf32, #tpu.memory_space<vmem_shared>>
        tpu.enqueue_indirect_dma source(%dma_start3A_60 : memref<10000x64xf32, #tpu.memory_space<vmem_shared>>) target(%arg9 : memref<128x64xf32, #tpu.memory_space<vmem>>) offsets(%dma_start3A_57 : memref<128xi32, #tpu.memory_space<vmem>>) semaphore(%arg13 : memref<!tpu.dma_semaphore, #tpu.memory_space<semaphore_mem>>)
      } else {
      }
      %add3A_43 = arith.constant 1 : i32
      %add3A_44 = arith.addi %mul3A_27, %add3A_43 : i32
      %dma_wait3A_45 = arith.constant 0 : i32
      %dma_wait3A_46 = tpu.memref_slice %arg7[%add3A_44, %dma_wait3A_45] : memref<80x128xi32, #tpu.memory_space<vmem>> -> memref<1x128xi32, #tpu.memory_space<vmem>>
      %dma_wait3A_47 = tpu.memref_squeeze %dma_wait3A_46 : memref<1x128xi32, #tpu.memory_space<vmem>> -> memref<128xi32, #tpu.memory_space<vmem>>
      %dma_wait3A_48 = arith.constant 0 : i32
      %dma_wait3A_49 = arith.constant 0 : i32
      %dma_wait3A_50 = tpu.memref_slice %arg12[%dma_wait3A_48, %dma_wait3A_49] : memref<10000x64xf32, #tpu.memory_space<vmem_shared>> -> memref<10000x64xf32, #tpu.memory_space<vmem_shared>>
      tpu.wait_indirect_dma semaphore(%arg14 : memref<!tpu.dma_semaphore, #tpu.memory_space<semaphore_mem>>) src(%dma_wait3A_50 : memref<10000x64xf32, #tpu.memory_space<vmem_shared>>) dst(%arg10 : memref<128x64xf32, #tpu.memory_space<vmem>>)
      %add3A_51 = arith.constant 1 : i32
      %add3A_52 = arith.addi %mul3A_27, %add3A_51 : i32
      "tpu.region"() ({
        %run_scoped3A = tpu.sem_alloc : memref<!tpu.dma_semaphore, #tpu.memory_space<semaphore_mem>>
        %dma_start3A_53 = arith.constant 0 : i32
        %dma_start3A_54 = tpu.memref_slice %arg8[%add3A_52, %dma_start3A_53] : memref<80x128xi32, #tpu.memory_space<vmem>> -> memref<1x128xi32, #tpu.memory_space<vmem>>
        %dma_start3A_55 = tpu.memref_squeeze %dma_start3A_54 : memref<1x128xi32, #tpu.memory_space<vmem>> -> memref<128xi32, #tpu.memory_space<vmem>>
        %dma_start3A_56 = arith.constant 0 : i32
        %dma_start3A_57 = arith.constant 0 : i32
        %dma_start3A_58 = tpu.memref_slice %arg11[%dma_start3A_56, %dma_start3A_57] : memref<10240x64xf32, #tpu.memory_space<vmem_shared>> -> memref<10240x64xf32, #tpu.memory_space<vmem_shared>>
        tpu.enqueue_indirect_dma source(%arg10 : memref<128x64xf32, #tpu.memory_space<vmem>>) target(%dma_start3A_58 : memref<10240x64xf32, #tpu.memory_space<vmem_shared>>) offsets(%dma_start3A_55 : memref<128xi32, #tpu.memory_space<vmem>>) semaphore(%run_scoped3A : memref<!tpu.dma_semaphore, #tpu.memory_space<semaphore_mem>>) {add = true}
        %dma_wait3A_59 = arith.constant 0 : i32
        %dma_wait3A_60 = tpu.memref_slice %arg8[%add3A_52, %dma_wait3A_59] : memref<80x128xi32, #tpu.memory_space<vmem>> -> memref<1x128xi32, #tpu.memory_space<vmem>>
        %dma_wait3A_61 = tpu.memref_squeeze %dma_wait3A_60 : memref<1x128xi32, #tpu.memory_space<vmem>> -> memref<128xi32, #tpu.memory_space<vmem>>
        %dma_wait3A_62 = arith.constant 0 : i32
        %dma_wait3A_63 = arith.constant 0 : i32
        %dma_wait3A_64 = tpu.memref_slice %arg11[%dma_wait3A_62, %dma_wait3A_63] : memref<10240x64xf32, #tpu.memory_space<vmem_shared>> -> memref<10240x64xf32, #tpu.memory_space<vmem_shared>>
        tpu.wait_indirect_dma semaphore(%run_scoped3A : memref<!tpu.dma_semaphore, #tpu.memory_space<semaphore_mem>>) src(%arg10 : memref<128x64xf32, #tpu.memory_space<vmem>>) dst(%dma_wait3A_64 : memref<10240x64xf32, #tpu.memory_space<vmem_shared>>)
        tpu.yield
      }) : () -> ()
    }
    %scan3A_19 = arith.constant 40 : i32
    %barrier3A_20 = arith.constant 0 : index
    tpu.barrier barrier_id(%barrier3A_20)
    %mul3A_21 = arith.constant 640 : i32
    %mul3A_22 = arith.muli %arg1, %mul3A_21 : i32
    %mul3A_23 = arith.constant 640 : i32
    %mul3A_24 = arith.muli %arg1, %mul3A_23 : i32
    "tpu.region"() ({
      %run_scoped3A = tpu.sem_alloc : memref<!tpu.dma_semaphore, #tpu.memory_space<semaphore_mem>>
      %dma_start3A_25 = arith.constant 0 : i32
      %dma_start3A_26 = tpu.memref_slice %arg6[%arg0, %mul3A_24, %dma_start3A_25] : memref<2x10240x64xf32, #tpu.memory_space<hbm>> -> memref<1x640x64xf32, #tpu.memory_space<hbm>>
      %dma_start3A_27 = tpu.memref_squeeze %dma_start3A_26 : memref<1x640x64xf32, #tpu.memory_space<hbm>> -> memref<640x64xf32, #tpu.memory_space<hbm>>
      %dma_start3A_28 = arith.constant 0 : i32
      %dma_start3A_29 = tpu.memref_slice %arg11[%mul3A_22, %dma_start3A_28] : memref<10240x64xf32, #tpu.memory_space<vmem_shared>> -> memref<640x64xf32, #tpu.memory_space<vmem_shared>>
      tpu.enqueue_dma source(%dma_start3A_29 : memref<640x64xf32, #tpu.memory_space<vmem_shared>>) target(%dma_start3A_27 : memref<640x64xf32, #tpu.memory_space<hbm>>) target_semaphore(%run_scoped3A : memref<!tpu.dma_semaphore, #tpu.memory_space<semaphore_mem>>)
      %dma_wait3A = arith.constant 0 : i32
      %dma_wait3A_30 = tpu.memref_slice %arg6[%arg0, %mul3A_24, %dma_wait3A] : memref<2x10240x64xf32, #tpu.memory_space<hbm>> -> memref<1x640x64xf32, #tpu.memory_space<hbm>>
      %dma_wait3A_31 = tpu.memref_squeeze %dma_wait3A_30 : memref<1x640x64xf32, #tpu.memory_space<hbm>> -> memref<640x64xf32, #tpu.memory_space<hbm>>
      %dma_wait3A_32 = arith.constant 0 : i32
      %dma_wait3A_33 = tpu.memref_slice %arg11[%mul3A_22, %dma_wait3A_32] : memref<10240x64xf32, #tpu.memory_space<vmem_shared>> -> memref<640x64xf32, #tpu.memory_space<vmem_shared>>
      tpu.wait_dma2 semaphore(%run_scoped3A : memref<!tpu.dma_semaphore, #tpu.memory_space<semaphore_mem>>) src(%dma_wait3A_33 : memref<640x64xf32, #tpu.memory_space<vmem_shared>>) dst(%dma_wait3A_31 : memref<640x64xf32, #tpu.memory_space<hbm>>)
      tpu.yield
    }) : () -> ()
    return
  }
}

#map = affine_map<(d0, d1) -> (0, 0, 0)>
#map1 = affine_map<(d0, d1) -> (0)>
#map2 = affine_map<(d0, d1) -> (0, 0)>
module attributes {stable_mosaic.version = 14 : i64} {
  func.func @_deg_kernel(%arg0: i32, %arg1: i32, %arg2: memref<32x80x128xi32, #tpu.memory_space<hbm>>, %arg3: memref<128xf32, #tpu.memory_space<hbm>>, %arg4: memref<10240xf32, #tpu.memory_space<hbm>>, %arg5: memref<2x10240xf32, #tpu.memory_space<hbm>>, %arg6: memref<80x128xi32, #tpu.memory_space<vmem>>, %arg7: memref<128xf32, #tpu.memory_space<vmem>>, %arg8: memref<10240xf32, #tpu.memory_space<vmem_shared>>) attributes {dimension_semantics = [#tpu.dimension_semantics<core_parallel>, #tpu.dimension_semantics<subcore_parallel>], iteration_bounds = array<i64: 2, 16>, scalar_prefetch = 0 : i64, scratch_operands = 3 : i64, tpu.core_type = #tpu.core_type<sc_vector_subcore>, window_params = [{transform_indices = #map}, {transform_indices = #map1}, {transform_indices = #map1}, {transform_indices = #map2}]} {
    %mul3A = arith.constant 16 : i32
    %mul3A_0 = arith.muli %arg0, %mul3A : i32
    %add3A = arith.addi %mul3A_0, %arg1 : i32
    %mul3A_1 = arith.constant 640 : i32
    %mul3A_2 = arith.muli %arg1, %mul3A_1 : i32
    %mul3A_3 = arith.constant 640 : i32
    %mul3A_4 = arith.muli %arg1, %mul3A_3 : i32
    "tpu.region"() ({
      %run_scoped3A = tpu.sem_alloc : memref<!tpu.dma_semaphore, #tpu.memory_space<semaphore_mem>>
      %dma_start3A = tpu.memref_slice %arg8[%mul3A_4] : memref<10240xf32, #tpu.memory_space<vmem_shared>> -> memref<640xf32, #tpu.memory_space<vmem_shared>>
      %dma_start3A_15 = tpu.memref_slice %arg4[%mul3A_2] : memref<10240xf32, #tpu.memory_space<hbm>> -> memref<640xf32, #tpu.memory_space<hbm>>
      tpu.enqueue_dma source(%dma_start3A_15 : memref<640xf32, #tpu.memory_space<hbm>>) target(%dma_start3A : memref<640xf32, #tpu.memory_space<vmem_shared>>) target_semaphore(%run_scoped3A : memref<!tpu.dma_semaphore, #tpu.memory_space<semaphore_mem>>)
      %dma_wait3A = tpu.memref_slice %arg8[%mul3A_4] : memref<10240xf32, #tpu.memory_space<vmem_shared>> -> memref<640xf32, #tpu.memory_space<vmem_shared>>
      %dma_wait3A_16 = tpu.memref_slice %arg4[%mul3A_2] : memref<10240xf32, #tpu.memory_space<hbm>> -> memref<640xf32, #tpu.memory_space<hbm>>
      tpu.wait_dma2 semaphore(%run_scoped3A : memref<!tpu.dma_semaphore, #tpu.memory_space<semaphore_mem>>) src(%dma_wait3A_16 : memref<640xf32, #tpu.memory_space<hbm>>) dst(%dma_wait3A : memref<640xf32, #tpu.memory_space<vmem_shared>>)
      tpu.yield
    }) : () -> ()
    "tpu.region"() ({
      %run_scoped3A = tpu.sem_alloc : memref<!tpu.dma_semaphore, #tpu.memory_space<semaphore_mem>>
      %dma_start3A = arith.constant 0 : i32
      %dma_start3A_15 = arith.constant 0 : i32
      %dma_start3A_16 = tpu.memref_slice %arg2[%add3A, %dma_start3A, %dma_start3A_15] : memref<32x80x128xi32, #tpu.memory_space<hbm>> -> memref<1x80x128xi32, #tpu.memory_space<hbm>>
      %dma_start3A_17 = tpu.memref_squeeze %dma_start3A_16 : memref<1x80x128xi32, #tpu.memory_space<hbm>> -> memref<80x128xi32, #tpu.memory_space<hbm>>
      %dma_start3A_18 = arith.constant 0 : i32
      %dma_start3A_19 = arith.constant 0 : i32
      %dma_start3A_20 = tpu.memref_slice %arg2[%add3A, %dma_start3A_18, %dma_start3A_19] : memref<32x80x128xi32, #tpu.memory_space<hbm>> -> memref<1x80x128xi32, #tpu.memory_space<hbm>>
      %dma_start3A_21 = tpu.memref_squeeze %dma_start3A_20 : memref<1x80x128xi32, #tpu.memory_space<hbm>> -> memref<80x128xi32, #tpu.memory_space<hbm>>
      tpu.enqueue_dma source(%dma_start3A_21 : memref<80x128xi32, #tpu.memory_space<hbm>>) target(%arg6 : memref<80x128xi32, #tpu.memory_space<vmem>>) target_semaphore(%run_scoped3A : memref<!tpu.dma_semaphore, #tpu.memory_space<semaphore_mem>>)
      %dma_wait3A = arith.constant 0 : i32
      %dma_wait3A_22 = arith.constant 0 : i32
      %dma_wait3A_23 = tpu.memref_slice %arg2[%add3A, %dma_wait3A, %dma_wait3A_22] : memref<32x80x128xi32, #tpu.memory_space<hbm>> -> memref<1x80x128xi32, #tpu.memory_space<hbm>>
      %dma_wait3A_24 = tpu.memref_squeeze %dma_wait3A_23 : memref<1x80x128xi32, #tpu.memory_space<hbm>> -> memref<80x128xi32, #tpu.memory_space<hbm>>
      %dma_wait3A_25 = arith.constant 0 : i32
      %dma_wait3A_26 = arith.constant 0 : i32
      %dma_wait3A_27 = tpu.memref_slice %arg2[%add3A, %dma_wait3A_25, %dma_wait3A_26] : memref<32x80x128xi32, #tpu.memory_space<hbm>> -> memref<1x80x128xi32, #tpu.memory_space<hbm>>
      %dma_wait3A_28 = tpu.memref_squeeze %dma_wait3A_27 : memref<1x80x128xi32, #tpu.memory_space<hbm>> -> memref<80x128xi32, #tpu.memory_space<hbm>>
      tpu.wait_dma2 semaphore(%run_scoped3A : memref<!tpu.dma_semaphore, #tpu.memory_space<semaphore_mem>>) src(%dma_wait3A_28 : memref<80x128xi32, #tpu.memory_space<hbm>>) dst(%arg6 : memref<80x128xi32, #tpu.memory_space<vmem>>)
      tpu.yield
    }) : () -> ()
    "tpu.region"() ({
      %run_scoped3A = tpu.sem_alloc : memref<!tpu.dma_semaphore, #tpu.memory_space<semaphore_mem>>
      tpu.enqueue_dma source(%arg3 : memref<128xf32, #tpu.memory_space<hbm>>) target(%arg7 : memref<128xf32, #tpu.memory_space<vmem>>) target_semaphore(%run_scoped3A : memref<!tpu.dma_semaphore, #tpu.memory_space<semaphore_mem>>)
      tpu.wait_dma2 semaphore(%run_scoped3A : memref<!tpu.dma_semaphore, #tpu.memory_space<semaphore_mem>>) src(%arg3 : memref<128xf32, #tpu.memory_space<hbm>>) dst(%arg7 : memref<128xf32, #tpu.memory_space<vmem>>)
      tpu.yield
    }) : () -> ()
    %barrier3A = arith.constant 0 : index
    tpu.barrier barrier_id(%barrier3A)
    %scan3A = arith.constant 0 : i32
    %scan3A_5 = arith.constant 0 : i32
    %scan3A_6 = arith.constant 80 : i32
    %scan3A_7 = arith.addi %scan3A_5, %scan3A_6 : i32
    %scan3A_8 = arith.constant 1 : i32
    scf.for %scan3A_15 = %scan3A_5 to %scan3A_7 step %scan3A_8  : i32 {
      "tpu.region"() ({
        %run_scoped3A = tpu.sem_alloc : memref<!tpu.dma_semaphore, #tpu.memory_space<semaphore_mem>>
        %dma_start3A = arith.constant 0 : i32
        %dma_start3A_16 = tpu.memref_slice %arg6[%scan3A_15, %dma_start3A] : memref<80x128xi32, #tpu.memory_space<vmem>> -> memref<1x128xi32, #tpu.memory_space<vmem>>
        %dma_start3A_17 = tpu.memref_squeeze %dma_start3A_16 : memref<1x128xi32, #tpu.memory_space<vmem>> -> memref<128xi32, #tpu.memory_space<vmem>>
        %dma_start3A_18 = arith.constant 0 : i32
        %dma_start3A_19 = tpu.memref_slice %arg8[%dma_start3A_18] : memref<10240xf32, #tpu.memory_space<vmem_shared>> -> memref<10240xf32, #tpu.memory_space<vmem_shared>>
        tpu.enqueue_indirect_dma source(%arg7 : memref<128xf32, #tpu.memory_space<vmem>>) target(%dma_start3A_19 : memref<10240xf32, #tpu.memory_space<vmem_shared>>) offsets(%dma_start3A_17 : memref<128xi32, #tpu.memory_space<vmem>>) semaphore(%run_scoped3A : memref<!tpu.dma_semaphore, #tpu.memory_space<semaphore_mem>>) {add = true}
        %dma_wait3A = arith.constant 0 : i32
        %dma_wait3A_20 = tpu.memref_slice %arg6[%scan3A_15, %dma_wait3A] : memref<80x128xi32, #tpu.memory_space<vmem>> -> memref<1x128xi32, #tpu.memory_space<vmem>>
        %dma_wait3A_21 = tpu.memref_squeeze %dma_wait3A_20 : memref<1x128xi32, #tpu.memory_space<vmem>> -> memref<128xi32, #tpu.memory_space<vmem>>
        %dma_wait3A_22 = arith.constant 0 : i32
        %dma_wait3A_23 = tpu.memref_slice %arg8[%dma_wait3A_22] : memref<10240xf32, #tpu.memory_space<vmem_shared>> -> memref<10240xf32, #tpu.memory_space<vmem_shared>>
        tpu.wait_indirect_dma semaphore(%run_scoped3A : memref<!tpu.dma_semaphore, #tpu.memory_space<semaphore_mem>>) src(%arg7 : memref<128xf32, #tpu.memory_space<vmem>>) dst(%dma_wait3A_23 : memref<10240xf32, #tpu.memory_space<vmem_shared>>)
        tpu.yield
      }) : () -> ()
    }
    %scan3A_9 = arith.constant 80 : i32
    %barrier3A_10 = arith.constant 0 : index
    tpu.barrier barrier_id(%barrier3A_10)
    %mul3A_11 = arith.constant 640 : i32
    %mul3A_12 = arith.muli %arg1, %mul3A_11 : i32
    %mul3A_13 = arith.constant 640 : i32
    %mul3A_14 = arith.muli %arg1, %mul3A_13 : i32
    "tpu.region"() ({
      %run_scoped3A = tpu.sem_alloc : memref<!tpu.dma_semaphore, #tpu.memory_space<semaphore_mem>>
      %dma_start3A = tpu.memref_slice %arg5[%arg0, %mul3A_14] : memref<2x10240xf32, #tpu.memory_space<hbm>> -> memref<1x640xf32, #tpu.memory_space<hbm>>
      %dma_start3A_15 = tpu.memref_squeeze %dma_start3A : memref<1x640xf32, #tpu.memory_space<hbm>> -> memref<640xf32, #tpu.memory_space<hbm>>
      %dma_start3A_16 = tpu.memref_slice %arg8[%mul3A_12] : memref<10240xf32, #tpu.memory_space<vmem_shared>> -> memref<640xf32, #tpu.memory_space<vmem_shared>>
      tpu.enqueue_dma source(%dma_start3A_16 : memref<640xf32, #tpu.memory_space<vmem_shared>>) target(%dma_start3A_15 : memref<640xf32, #tpu.memory_space<hbm>>) target_semaphore(%run_scoped3A : memref<!tpu.dma_semaphore, #tpu.memory_space<semaphore_mem>>)
      %dma_wait3A = tpu.memref_slice %arg5[%arg0, %mul3A_14] : memref<2x10240xf32, #tpu.memory_space<hbm>> -> memref<1x640xf32, #tpu.memory_space<hbm>>
      %dma_wait3A_17 = tpu.memref_squeeze %dma_wait3A : memref<1x640xf32, #tpu.memory_space<hbm>> -> memref<640xf32, #tpu.memory_space<hbm>>
      %dma_wait3A_18 = tpu.memref_slice %arg8[%mul3A_12] : memref<10240xf32, #tpu.memory_space<vmem_shared>> -> memref<640xf32, #tpu.memory_space<vmem_shared>>
      tpu.wait_dma2 semaphore(%run_scoped3A : memref<!tpu.dma_semaphore, #tpu.memory_space<semaphore_mem>>) src(%dma_wait3A_18 : memref<640xf32, #tpu.memory_space<vmem_shared>>) dst(%dma_wait3A_17 : memref<640xf32, #tpu.memory_space<hbm>>)
      tpu.yield
    }) : () -> ()
    return
  }
}

#map = affine_map<(d0, d1) -> (0, 0, 0)>
#map1 = affine_map<(d0, d1) -> (0, 0)>
module attributes {stable_mosaic.version = 14 : i64} {
  func.func @agg_kernel(%arg0: i32, %arg1: i32, %arg2: memref<32x80x128xi32, #tpu.memory_space<hbm>>, %arg3: memref<32x80x128xi32, #tpu.memory_space<hbm>>, %arg4: memref<10000x32xf32, #tpu.memory_space<hbm>>, %arg5: memref<10240x32xf32, #tpu.memory_space<hbm>>, %arg6: memref<2x10240x32xf32, #tpu.memory_space<hbm>>, %arg7: memref<80x128xi32, #tpu.memory_space<vmem>>, %arg8: memref<80x128xi32, #tpu.memory_space<vmem>>, %arg9: memref<128x32xf32, #tpu.memory_space<vmem>>, %arg10: memref<128x32xf32, #tpu.memory_space<vmem>>, %arg11: memref<10240x32xf32, #tpu.memory_space<vmem_shared>>, %arg12: memref<10000x32xf32, #tpu.memory_space<vmem_shared>>, %arg13: memref<!tpu.dma_semaphore, #tpu.memory_space<semaphore_mem>>, %arg14: memref<!tpu.dma_semaphore, #tpu.memory_space<semaphore_mem>>) attributes {dimension_semantics = [#tpu.dimension_semantics<core_parallel>, #tpu.dimension_semantics<subcore_parallel>], iteration_bounds = array<i64: 2, 16>, scalar_prefetch = 0 : i64, scratch_operands = 8 : i64, tpu.core_type = #tpu.core_type<sc_vector_subcore>, window_params = [{transform_indices = #map}, {transform_indices = #map}, {transform_indices = #map1}, {transform_indices = #map1}, {transform_indices = #map}]} {
    %mul3A = arith.constant 16 : i32
    %mul3A_0 = arith.muli %arg0, %mul3A : i32
    %add3A = arith.addi %mul3A_0, %arg1 : i32
    %mul3A_1 = arith.constant 640 : i32
    %mul3A_2 = arith.muli %arg1, %mul3A_1 : i32
    %mul3A_3 = arith.constant 640 : i32
    %mul3A_4 = arith.muli %arg1, %mul3A_3 : i32
    "tpu.region"() ({
      %run_scoped3A = tpu.sem_alloc : memref<!tpu.dma_semaphore, #tpu.memory_space<semaphore_mem>>
      %dma_start3A_25 = arith.constant 0 : i32
      %dma_start3A_26 = tpu.memref_slice %arg11[%mul3A_4, %dma_start3A_25] : memref<10240x32xf32, #tpu.memory_space<vmem_shared>> -> memref<640x32xf32, #tpu.memory_space<vmem_shared>>
      %dma_start3A_27 = arith.constant 0 : i32
      %dma_start3A_28 = tpu.memref_slice %arg5[%mul3A_2, %dma_start3A_27] : memref<10240x32xf32, #tpu.memory_space<hbm>> -> memref<640x32xf32, #tpu.memory_space<hbm>>
      tpu.enqueue_dma source(%dma_start3A_28 : memref<640x32xf32, #tpu.memory_space<hbm>>) target(%dma_start3A_26 : memref<640x32xf32, #tpu.memory_space<vmem_shared>>) target_semaphore(%run_scoped3A : memref<!tpu.dma_semaphore, #tpu.memory_space<semaphore_mem>>)
      %dma_wait3A = arith.constant 0 : i32
      %dma_wait3A_29 = tpu.memref_slice %arg11[%mul3A_4, %dma_wait3A] : memref<10240x32xf32, #tpu.memory_space<vmem_shared>> -> memref<640x32xf32, #tpu.memory_space<vmem_shared>>
      %dma_wait3A_30 = arith.constant 0 : i32
      %dma_wait3A_31 = tpu.memref_slice %arg5[%mul3A_2, %dma_wait3A_30] : memref<10240x32xf32, #tpu.memory_space<hbm>> -> memref<640x32xf32, #tpu.memory_space<hbm>>
      tpu.wait_dma2 semaphore(%run_scoped3A : memref<!tpu.dma_semaphore, #tpu.memory_space<semaphore_mem>>) src(%dma_wait3A_31 : memref<640x32xf32, #tpu.memory_space<hbm>>) dst(%dma_wait3A_29 : memref<640x32xf32, #tpu.memory_space<vmem_shared>>)
      tpu.yield
    }) : () -> ()
    %mul3A_5 = arith.constant 625 : i32
    %mul3A_6 = arith.muli %arg1, %mul3A_5 : i32
    %mul3A_7 = arith.constant 625 : i32
    %mul3A_8 = arith.muli %arg1, %mul3A_7 : i32
    "tpu.region"() ({
      %run_scoped3A = tpu.sem_alloc : memref<!tpu.dma_semaphore, #tpu.memory_space<semaphore_mem>>
      %dma_start3A_25 = arith.constant 0 : i32
      %dma_start3A_26 = tpu.memref_slice %arg12[%mul3A_8, %dma_start3A_25] : memref<10000x32xf32, #tpu.memory_space<vmem_shared>> -> memref<625x32xf32, #tpu.memory_space<vmem_shared>>
      %dma_start3A_27 = arith.constant 0 : i32
      %dma_start3A_28 = tpu.memref_slice %arg4[%mul3A_6, %dma_start3A_27] : memref<10000x32xf32, #tpu.memory_space<hbm>> -> memref<625x32xf32, #tpu.memory_space<hbm>>
      tpu.enqueue_dma source(%dma_start3A_28 : memref<625x32xf32, #tpu.memory_space<hbm>>) target(%dma_start3A_26 : memref<625x32xf32, #tpu.memory_space<vmem_shared>>) target_semaphore(%run_scoped3A : memref<!tpu.dma_semaphore, #tpu.memory_space<semaphore_mem>>)
      %dma_wait3A = arith.constant 0 : i32
      %dma_wait3A_29 = tpu.memref_slice %arg12[%mul3A_8, %dma_wait3A] : memref<10000x32xf32, #tpu.memory_space<vmem_shared>> -> memref<625x32xf32, #tpu.memory_space<vmem_shared>>
      %dma_wait3A_30 = arith.constant 0 : i32
      %dma_wait3A_31 = tpu.memref_slice %arg4[%mul3A_6, %dma_wait3A_30] : memref<10000x32xf32, #tpu.memory_space<hbm>> -> memref<625x32xf32, #tpu.memory_space<hbm>>
      tpu.wait_dma2 semaphore(%run_scoped3A : memref<!tpu.dma_semaphore, #tpu.memory_space<semaphore_mem>>) src(%dma_wait3A_31 : memref<625x32xf32, #tpu.memory_space<hbm>>) dst(%dma_wait3A_29 : memref<625x32xf32, #tpu.memory_space<vmem_shared>>)
      tpu.yield
    }) : () -> ()
    "tpu.region"() ({
      %run_scoped3A = tpu.sem_alloc : memref<!tpu.dma_semaphore, #tpu.memory_space<semaphore_mem>>
      %dma_start3A_25 = arith.constant 0 : i32
      %dma_start3A_26 = arith.constant 0 : i32
      %dma_start3A_27 = tpu.memref_slice %arg2[%add3A, %dma_start3A_25, %dma_start3A_26] : memref<32x80x128xi32, #tpu.memory_space<hbm>> -> memref<1x80x128xi32, #tpu.memory_space<hbm>>
      %dma_start3A_28 = tpu.memref_squeeze %dma_start3A_27 : memref<1x80x128xi32, #tpu.memory_space<hbm>> -> memref<80x128xi32, #tpu.memory_space<hbm>>
      %dma_start3A_29 = arith.constant 0 : i32
      %dma_start3A_30 = arith.constant 0 : i32
      %dma_start3A_31 = tpu.memref_slice %arg2[%add3A, %dma_start3A_29, %dma_start3A_30] : memref<32x80x128xi32, #tpu.memory_space<hbm>> -> memref<1x80x128xi32, #tpu.memory_space<hbm>>
      %dma_start3A_32 = tpu.memref_squeeze %dma_start3A_31 : memref<1x80x128xi32, #tpu.memory_space<hbm>> -> memref<80x128xi32, #tpu.memory_space<hbm>>
      tpu.enqueue_dma source(%dma_start3A_32 : memref<80x128xi32, #tpu.memory_space<hbm>>) target(%arg7 : memref<80x128xi32, #tpu.memory_space<vmem>>) target_semaphore(%run_scoped3A : memref<!tpu.dma_semaphore, #tpu.memory_space<semaphore_mem>>)
      %dma_wait3A = arith.constant 0 : i32
      %dma_wait3A_33 = arith.constant 0 : i32
      %dma_wait3A_34 = tpu.memref_slice %arg2[%add3A, %dma_wait3A, %dma_wait3A_33] : memref<32x80x128xi32, #tpu.memory_space<hbm>> -> memref<1x80x128xi32, #tpu.memory_space<hbm>>
      %dma_wait3A_35 = tpu.memref_squeeze %dma_wait3A_34 : memref<1x80x128xi32, #tpu.memory_space<hbm>> -> memref<80x128xi32, #tpu.memory_space<hbm>>
      %dma_wait3A_36 = arith.constant 0 : i32
      %dma_wait3A_37 = arith.constant 0 : i32
      %dma_wait3A_38 = tpu.memref_slice %arg2[%add3A, %dma_wait3A_36, %dma_wait3A_37] : memref<32x80x128xi32, #tpu.memory_space<hbm>> -> memref<1x80x128xi32, #tpu.memory_space<hbm>>
      %dma_wait3A_39 = tpu.memref_squeeze %dma_wait3A_38 : memref<1x80x128xi32, #tpu.memory_space<hbm>> -> memref<80x128xi32, #tpu.memory_space<hbm>>
      tpu.wait_dma2 semaphore(%run_scoped3A : memref<!tpu.dma_semaphore, #tpu.memory_space<semaphore_mem>>) src(%dma_wait3A_39 : memref<80x128xi32, #tpu.memory_space<hbm>>) dst(%arg7 : memref<80x128xi32, #tpu.memory_space<vmem>>)
      tpu.yield
    }) : () -> ()
    "tpu.region"() ({
      %run_scoped3A = tpu.sem_alloc : memref<!tpu.dma_semaphore, #tpu.memory_space<semaphore_mem>>
      %dma_start3A_25 = arith.constant 0 : i32
      %dma_start3A_26 = arith.constant 0 : i32
      %dma_start3A_27 = tpu.memref_slice %arg3[%add3A, %dma_start3A_25, %dma_start3A_26] : memref<32x80x128xi32, #tpu.memory_space<hbm>> -> memref<1x80x128xi32, #tpu.memory_space<hbm>>
      %dma_start3A_28 = tpu.memref_squeeze %dma_start3A_27 : memref<1x80x128xi32, #tpu.memory_space<hbm>> -> memref<80x128xi32, #tpu.memory_space<hbm>>
      %dma_start3A_29 = arith.constant 0 : i32
      %dma_start3A_30 = arith.constant 0 : i32
      %dma_start3A_31 = tpu.memref_slice %arg3[%add3A, %dma_start3A_29, %dma_start3A_30] : memref<32x80x128xi32, #tpu.memory_space<hbm>> -> memref<1x80x128xi32, #tpu.memory_space<hbm>>
      %dma_start3A_32 = tpu.memref_squeeze %dma_start3A_31 : memref<1x80x128xi32, #tpu.memory_space<hbm>> -> memref<80x128xi32, #tpu.memory_space<hbm>>
      tpu.enqueue_dma source(%dma_start3A_32 : memref<80x128xi32, #tpu.memory_space<hbm>>) target(%arg8 : memref<80x128xi32, #tpu.memory_space<vmem>>) target_semaphore(%run_scoped3A : memref<!tpu.dma_semaphore, #tpu.memory_space<semaphore_mem>>)
      %dma_wait3A = arith.constant 0 : i32
      %dma_wait3A_33 = arith.constant 0 : i32
      %dma_wait3A_34 = tpu.memref_slice %arg3[%add3A, %dma_wait3A, %dma_wait3A_33] : memref<32x80x128xi32, #tpu.memory_space<hbm>> -> memref<1x80x128xi32, #tpu.memory_space<hbm>>
      %dma_wait3A_35 = tpu.memref_squeeze %dma_wait3A_34 : memref<1x80x128xi32, #tpu.memory_space<hbm>> -> memref<80x128xi32, #tpu.memory_space<hbm>>
      %dma_wait3A_36 = arith.constant 0 : i32
      %dma_wait3A_37 = arith.constant 0 : i32
      %dma_wait3A_38 = tpu.memref_slice %arg3[%add3A, %dma_wait3A_36, %dma_wait3A_37] : memref<32x80x128xi32, #tpu.memory_space<hbm>> -> memref<1x80x128xi32, #tpu.memory_space<hbm>>
      %dma_wait3A_39 = tpu.memref_squeeze %dma_wait3A_38 : memref<1x80x128xi32, #tpu.memory_space<hbm>> -> memref<80x128xi32, #tpu.memory_space<hbm>>
      tpu.wait_dma2 semaphore(%run_scoped3A : memref<!tpu.dma_semaphore, #tpu.memory_space<semaphore_mem>>) src(%dma_wait3A_39 : memref<80x128xi32, #tpu.memory_space<hbm>>) dst(%arg8 : memref<80x128xi32, #tpu.memory_space<vmem>>)
      tpu.yield
    }) : () -> ()
    %barrier3A = arith.constant 0 : index
    tpu.barrier barrier_id(%barrier3A)
    %dma_start3A = arith.constant 0 : i32
    %dma_start3A_9 = arith.constant 0 : i32
    %dma_start3A_10 = tpu.memref_slice %arg7[%dma_start3A, %dma_start3A_9] : memref<80x128xi32, #tpu.memory_space<vmem>> -> memref<1x128xi32, #tpu.memory_space<vmem>>
    %dma_start3A_11 = tpu.memref_squeeze %dma_start3A_10 : memref<1x128xi32, #tpu.memory_space<vmem>> -> memref<128xi32, #tpu.memory_space<vmem>>
    %dma_start3A_12 = arith.constant 0 : i32
    %dma_start3A_13 = arith.constant 0 : i32
    %dma_start3A_14 = tpu.memref_slice %arg12[%dma_start3A_12, %dma_start3A_13] : memref<10000x32xf32, #tpu.memory_space<vmem_shared>> -> memref<10000x32xf32, #tpu.memory_space<vmem_shared>>
    tpu.enqueue_indirect_dma source(%dma_start3A_14 : memref<10000x32xf32, #tpu.memory_space<vmem_shared>>) target(%arg9 : memref<128x32xf32, #tpu.memory_space<vmem>>) offsets(%dma_start3A_11 : memref<128xi32, #tpu.memory_space<vmem>>) semaphore(%arg13 : memref<!tpu.dma_semaphore, #tpu.memory_space<semaphore_mem>>)
    %scan3A = arith.constant 0 : i32
    %scan3A_15 = arith.constant 0 : i32
    %scan3A_16 = arith.constant 40 : i32
    %scan3A_17 = arith.addi %scan3A_15, %scan3A_16 : i32
    %scan3A_18 = arith.constant 1 : i32
    scf.for %scan3A_25 = %scan3A_15 to %scan3A_17 step %scan3A_18  : i32 {
      %mul3A_26 = arith.constant 2 : i32
      %mul3A_27 = arith.muli %mul3A_26, %scan3A_25 : i32
      %add3A_28 = arith.constant 1 : i32
      %add3A_29 = arith.addi %mul3A_27, %add3A_28 : i32
      %dma_start3A_30 = arith.constant 0 : i32
      %dma_start3A_31 = tpu.memref_slice %arg7[%add3A_29, %dma_start3A_30] : memref<80x128xi32, #tpu.memory_space<vmem>> -> memref<1x128xi32, #tpu.memory_space<vmem>>
      %dma_start3A_32 = tpu.memref_squeeze %dma_start3A_31 : memref<1x128xi32, #tpu.memory_space<vmem>> -> memref<128xi32, #tpu.memory_space<vmem>>
      %dma_start3A_33 = arith.constant 0 : i32
      %dma_start3A_34 = arith.constant 0 : i32
      %dma_start3A_35 = tpu.memref_slice %arg12[%dma_start3A_33, %dma_start3A_34] : memref<10000x32xf32, #tpu.memory_space<vmem_shared>> -> memref<10000x32xf32, #tpu.memory_space<vmem_shared>>
      tpu.enqueue_indirect_dma source(%dma_start3A_35 : memref<10000x32xf32, #tpu.memory_space<vmem_shared>>) target(%arg10 : memref<128x32xf32, #tpu.memory_space<vmem>>) offsets(%dma_start3A_32 : memref<128xi32, #tpu.memory_space<vmem>>) semaphore(%arg14 : memref<!tpu.dma_semaphore, #tpu.memory_space<semaphore_mem>>)
      %dma_wait3A = arith.constant 0 : i32
      %dma_wait3A_36 = tpu.memref_slice %arg7[%mul3A_27, %dma_wait3A] : memref<80x128xi32, #tpu.memory_space<vmem>> -> memref<1x128xi32, #tpu.memory_space<vmem>>
      %dma_wait3A_37 = tpu.memref_squeeze %dma_wait3A_36 : memref<1x128xi32, #tpu.memory_space<vmem>> -> memref<128xi32, #tpu.memory_space<vmem>>
      %dma_wait3A_38 = arith.constant 0 : i32
      %dma_wait3A_39 = arith.constant 0 : i32
      %dma_wait3A_40 = tpu.memref_slice %arg12[%dma_wait3A_38, %dma_wait3A_39] : memref<10000x32xf32, #tpu.memory_space<vmem_shared>> -> memref<10000x32xf32, #tpu.memory_space<vmem_shared>>
      tpu.wait_indirect_dma semaphore(%arg13 : memref<!tpu.dma_semaphore, #tpu.memory_space<semaphore_mem>>) src(%dma_wait3A_40 : memref<10000x32xf32, #tpu.memory_space<vmem_shared>>) dst(%arg9 : memref<128x32xf32, #tpu.memory_space<vmem>>)
      "tpu.region"() ({
        %run_scoped3A = tpu.sem_alloc : memref<!tpu.dma_semaphore, #tpu.memory_space<semaphore_mem>>
        %dma_start3A_53 = arith.constant 0 : i32
        %dma_start3A_54 = tpu.memref_slice %arg8[%mul3A_27, %dma_start3A_53] : memref<80x128xi32, #tpu.memory_space<vmem>> -> memref<1x128xi32, #tpu.memory_space<vmem>>
        %dma_start3A_55 = tpu.memref_squeeze %dma_start3A_54 : memref<1x128xi32, #tpu.memory_space<vmem>> -> memref<128xi32, #tpu.memory_space<vmem>>
        %dma_start3A_56 = arith.constant 0 : i32
        %dma_start3A_57 = arith.constant 0 : i32
        %dma_start3A_58 = tpu.memref_slice %arg11[%dma_start3A_56, %dma_start3A_57] : memref<10240x32xf32, #tpu.memory_space<vmem_shared>> -> memref<10240x32xf32, #tpu.memory_space<vmem_shared>>
        tpu.enqueue_indirect_dma source(%arg9 : memref<128x32xf32, #tpu.memory_space<vmem>>) target(%dma_start3A_58 : memref<10240x32xf32, #tpu.memory_space<vmem_shared>>) offsets(%dma_start3A_55 : memref<128xi32, #tpu.memory_space<vmem>>) semaphore(%run_scoped3A : memref<!tpu.dma_semaphore, #tpu.memory_space<semaphore_mem>>) {add = true}
        %dma_wait3A_59 = arith.constant 0 : i32
        %dma_wait3A_60 = tpu.memref_slice %arg8[%mul3A_27, %dma_wait3A_59] : memref<80x128xi32, #tpu.memory_space<vmem>> -> memref<1x128xi32, #tpu.memory_space<vmem>>
        %dma_wait3A_61 = tpu.memref_squeeze %dma_wait3A_60 : memref<1x128xi32, #tpu.memory_space<vmem>> -> memref<128xi32, #tpu.memory_space<vmem>>
        %dma_wait3A_62 = arith.constant 0 : i32
        %dma_wait3A_63 = arith.constant 0 : i32
        %dma_wait3A_64 = tpu.memref_slice %arg11[%dma_wait3A_62, %dma_wait3A_63] : memref<10240x32xf32, #tpu.memory_space<vmem_shared>> -> memref<10240x32xf32, #tpu.memory_space<vmem_shared>>
        tpu.wait_indirect_dma semaphore(%run_scoped3A : memref<!tpu.dma_semaphore, #tpu.memory_space<semaphore_mem>>) src(%arg9 : memref<128x32xf32, #tpu.memory_space<vmem>>) dst(%dma_wait3A_64 : memref<10240x32xf32, #tpu.memory_space<vmem_shared>>)
        tpu.yield
      }) : () -> ()
      %lt3A = arith.constant 39 : i32
      %lt3A_41 = arith.cmpi slt, %scan3A_25, %lt3A : i32
      %convert_element_type3A = arith.extui %lt3A_41 : i1 to i32
      %cond3A = arith.constant 0 : i32
      %cond3A_42 = arith.cmpi ne, %convert_element_type3A, %cond3A : i32
      scf.if %cond3A_42 {
        %add3A_53 = arith.constant 2 : i32
        %add3A_54 = arith.addi %mul3A_27, %add3A_53 : i32
        %dma_start3A_55 = arith.constant 0 : i32
        %dma_start3A_56 = tpu.memref_slice %arg7[%add3A_54, %dma_start3A_55] : memref<80x128xi32, #tpu.memory_space<vmem>> -> memref<1x128xi32, #tpu.memory_space<vmem>>
        %dma_start3A_57 = tpu.memref_squeeze %dma_start3A_56 : memref<1x128xi32, #tpu.memory_space<vmem>> -> memref<128xi32, #tpu.memory_space<vmem>>
        %dma_start3A_58 = arith.constant 0 : i32
        %dma_start3A_59 = arith.constant 0 : i32
        %dma_start3A_60 = tpu.memref_slice %arg12[%dma_start3A_58, %dma_start3A_59] : memref<10000x32xf32, #tpu.memory_space<vmem_shared>> -> memref<10000x32xf32, #tpu.memory_space<vmem_shared>>
        tpu.enqueue_indirect_dma source(%dma_start3A_60 : memref<10000x32xf32, #tpu.memory_space<vmem_shared>>) target(%arg9 : memref<128x32xf32, #tpu.memory_space<vmem>>) offsets(%dma_start3A_57 : memref<128xi32, #tpu.memory_space<vmem>>) semaphore(%arg13 : memref<!tpu.dma_semaphore, #tpu.memory_space<semaphore_mem>>)
      } else {
      }
      %add3A_43 = arith.constant 1 : i32
      %add3A_44 = arith.addi %mul3A_27, %add3A_43 : i32
      %dma_wait3A_45 = arith.constant 0 : i32
      %dma_wait3A_46 = tpu.memref_slice %arg7[%add3A_44, %dma_wait3A_45] : memref<80x128xi32, #tpu.memory_space<vmem>> -> memref<1x128xi32, #tpu.memory_space<vmem>>
      %dma_wait3A_47 = tpu.memref_squeeze %dma_wait3A_46 : memref<1x128xi32, #tpu.memory_space<vmem>> -> memref<128xi32, #tpu.memory_space<vmem>>
      %dma_wait3A_48 = arith.constant 0 : i32
      %dma_wait3A_49 = arith.constant 0 : i32
      %dma_wait3A_50 = tpu.memref_slice %arg12[%dma_wait3A_48, %dma_wait3A_49] : memref<10000x32xf32, #tpu.memory_space<vmem_shared>> -> memref<10000x32xf32, #tpu.memory_space<vmem_shared>>
      tpu.wait_indirect_dma semaphore(%arg14 : memref<!tpu.dma_semaphore, #tpu.memory_space<semaphore_mem>>) src(%dma_wait3A_50 : memref<10000x32xf32, #tpu.memory_space<vmem_shared>>) dst(%arg10 : memref<128x32xf32, #tpu.memory_space<vmem>>)
      %add3A_51 = arith.constant 1 : i32
      %add3A_52 = arith.addi %mul3A_27, %add3A_51 : i32
      "tpu.region"() ({
        %run_scoped3A = tpu.sem_alloc : memref<!tpu.dma_semaphore, #tpu.memory_space<semaphore_mem>>
        %dma_start3A_53 = arith.constant 0 : i32
        %dma_start3A_54 = tpu.memref_slice %arg8[%add3A_52, %dma_start3A_53] : memref<80x128xi32, #tpu.memory_space<vmem>> -> memref<1x128xi32, #tpu.memory_space<vmem>>
        %dma_start3A_55 = tpu.memref_squeeze %dma_start3A_54 : memref<1x128xi32, #tpu.memory_space<vmem>> -> memref<128xi32, #tpu.memory_space<vmem>>
        %dma_start3A_56 = arith.constant 0 : i32
        %dma_start3A_57 = arith.constant 0 : i32
        %dma_start3A_58 = tpu.memref_slice %arg11[%dma_start3A_56, %dma_start3A_57] : memref<10240x32xf32, #tpu.memory_space<vmem_shared>> -> memref<10240x32xf32, #tpu.memory_space<vmem_shared>>
        tpu.enqueue_indirect_dma source(%arg10 : memref<128x32xf32, #tpu.memory_space<vmem>>) target(%dma_start3A_58 : memref<10240x32xf32, #tpu.memory_space<vmem_shared>>) offsets(%dma_start3A_55 : memref<128xi32, #tpu.memory_space<vmem>>) semaphore(%run_scoped3A : memref<!tpu.dma_semaphore, #tpu.memory_space<semaphore_mem>>) {add = true}
        %dma_wait3A_59 = arith.constant 0 : i32
        %dma_wait3A_60 = tpu.memref_slice %arg8[%add3A_52, %dma_wait3A_59] : memref<80x128xi32, #tpu.memory_space<vmem>> -> memref<1x128xi32, #tpu.memory_space<vmem>>
        %dma_wait3A_61 = tpu.memref_squeeze %dma_wait3A_60 : memref<1x128xi32, #tpu.memory_space<vmem>> -> memref<128xi32, #tpu.memory_space<vmem>>
        %dma_wait3A_62 = arith.constant 0 : i32
        %dma_wait3A_63 = arith.constant 0 : i32
        %dma_wait3A_64 = tpu.memref_slice %arg11[%dma_wait3A_62, %dma_wait3A_63] : memref<10240x32xf32, #tpu.memory_space<vmem_shared>> -> memref<10240x32xf32, #tpu.memory_space<vmem_shared>>
        tpu.wait_indirect_dma semaphore(%run_scoped3A : memref<!tpu.dma_semaphore, #tpu.memory_space<semaphore_mem>>) src(%arg10 : memref<128x32xf32, #tpu.memory_space<vmem>>) dst(%dma_wait3A_64 : memref<10240x32xf32, #tpu.memory_space<vmem_shared>>)
        tpu.yield
      }) : () -> ()
    }
    %scan3A_19 = arith.constant 40 : i32
    %barrier3A_20 = arith.constant 0 : index
    tpu.barrier barrier_id(%barrier3A_20)
    %mul3A_21 = arith.constant 640 : i32
    %mul3A_22 = arith.muli %arg1, %mul3A_21 : i32
    %mul3A_23 = arith.constant 640 : i32
    %mul3A_24 = arith.muli %arg1, %mul3A_23 : i32
    "tpu.region"() ({
      %run_scoped3A = tpu.sem_alloc : memref<!tpu.dma_semaphore, #tpu.memory_space<semaphore_mem>>
      %dma_start3A_25 = arith.constant 0 : i32
      %dma_start3A_26 = tpu.memref_slice %arg6[%arg0, %mul3A_24, %dma_start3A_25] : memref<2x10240x32xf32, #tpu.memory_space<hbm>> -> memref<1x640x32xf32, #tpu.memory_space<hbm>>
      %dma_start3A_27 = tpu.memref_squeeze %dma_start3A_26 : memref<1x640x32xf32, #tpu.memory_space<hbm>> -> memref<640x32xf32, #tpu.memory_space<hbm>>
      %dma_start3A_28 = arith.constant 0 : i32
      %dma_start3A_29 = tpu.memref_slice %arg11[%mul3A_22, %dma_start3A_28] : memref<10240x32xf32, #tpu.memory_space<vmem_shared>> -> memref<640x32xf32, #tpu.memory_space<vmem_shared>>
      tpu.enqueue_dma source(%dma_start3A_29 : memref<640x32xf32, #tpu.memory_space<vmem_shared>>) target(%dma_start3A_27 : memref<640x32xf32, #tpu.memory_space<hbm>>) target_semaphore(%run_scoped3A : memref<!tpu.dma_semaphore, #tpu.memory_space<semaphore_mem>>)
      %dma_wait3A = arith.constant 0 : i32
      %dma_wait3A_30 = tpu.memref_slice %arg6[%arg0, %mul3A_24, %dma_wait3A] : memref<2x10240x32xf32, #tpu.memory_space<hbm>> -> memref<1x640x32xf32, #tpu.memory_space<hbm>>
      %dma_wait3A_31 = tpu.memref_squeeze %dma_wait3A_30 : memref<1x640x32xf32, #tpu.memory_space<hbm>> -> memref<640x32xf32, #tpu.memory_space<hbm>>
      %dma_wait3A_32 = arith.constant 0 : i32
      %dma_wait3A_33 = tpu.memref_slice %arg11[%mul3A_22, %dma_wait3A_32] : memref<10240x32xf32, #tpu.memory_space<vmem_shared>> -> memref<640x32xf32, #tpu.memory_space<vmem_shared>>
      tpu.wait_dma2 semaphore(%run_scoped3A : memref<!tpu.dma_semaphore, #tpu.memory_space<semaphore_mem>>) src(%dma_wait3A_33 : memref<640x32xf32, #tpu.memory_space<vmem_shared>>) dst(%dma_wait3A_31 : memref<640x32xf32, #tpu.memory_space<hbm>>)
      tpu.yield
    }) : () -> ()
    return
  }
}

module attributes {stable_mosaic.version = 14 : i64} {
  func.func @_mm_dinv_body(%arg0: memref<10000x128xf32, #tpu.memory_space<vmem>>, %arg1: memref<128x64xf32, #tpu.memory_space<vmem>>, %arg2: memref<10000x1xf32, #tpu.memory_space<vmem>>, %arg3: memref<10000x1xf32, #tpu.memory_space<vmem>>, %arg4: memref<10000x1xf32, #tpu.memory_space<vmem>>, %arg5: memref<10000x64xf32, #tpu.memory_space<vmem>>) attributes {dimension_semantics = [], scalar_prefetch = 0 : i64, scratch_operands = 0 : i64, tpu.core_type = #tpu.core_type<tc>} {
    %get3A = arith.constant 0 : index
    %get3A_0 = arith.constant 0 : index
    %get3A_1 = vector.load %arg2[%get3A, %get3A_0] : memref<10000x1xf32, #tpu.memory_space<vmem>>, vector<10000x1xf32>
    %get3A_2 = arith.constant 0 : index
    %get3A_3 = arith.constant 0 : index
    %get3A_4 = vector.load %arg3[%get3A_2, %get3A_3] : memref<10000x1xf32, #tpu.memory_space<vmem>>, vector<10000x1xf32>
    %add3A = arith.addf %get3A_1, %get3A_4 : vector<10000x1xf32>
    %add3A_5 = arith.constant 1.000000e+00 : f32
    %add3A_6 = vector.broadcast %add3A_5 : f32 to vector<10000x1xf32>
    %add3A_7 = arith.addf %add3A, %add3A_6 : vector<10000x1xf32>
    %rsqrt3A = math.rsqrt %add3A_7 : vector<10000x1xf32>
    %swap3A = arith.constant 0 : index
    %swap3A_8 = arith.constant 0 : index
    %swap3A_9 = vector.load %arg4[%swap3A, %swap3A_8] : memref<10000x1xf32, #tpu.memory_space<vmem>>, vector<10000x1xf32>
    tpu.vector_store %arg4[%swap3A, %swap3A_8], %rsqrt3A {strides = array<i32>} : memref<10000x1xf32, #tpu.memory_space<vmem>>, vector<10000x1xf32>,
    %get3A_10 = arith.constant 0 : index
    %get3A_11 = arith.constant 0 : index
    %get3A_12 = vector.load %arg0[%get3A_10, %get3A_11] : memref<10000x128xf32, #tpu.memory_space<vmem>>, vector<10000x128xf32>
    %get3A_13 = arith.constant 0 : index
    %get3A_14 = arith.constant 0 : index
    %get3A_15 = vector.load %arg1[%get3A_13, %get3A_14] : memref<128x64xf32, #tpu.memory_space<vmem>>, vector<128x64xf32>
    %dot_general3A = arith.constant dense<0.000000e+00> : vector<10000x64xf32>
    %dot_general3A_16 = tpu.matmul %get3A_12, %get3A_15, %dot_general3A {dimension_numbers = #tpu.dot_dimension_numbers<[1], [0], [0], [1], [0, 0, 1, 1], [], []>, transpose_lhs_hint = false} : vector<10000x128xf32>, vector<128x64xf32>, vector<10000x64xf32> -> vector<10000x64xf32>
    %mul3A = vector.broadcast %rsqrt3A : vector<10000x1xf32> to vector<10000x64xf32>
    %mul3A_17 = arith.mulf %dot_general3A_16, %mul3A : vector<10000x64xf32>
    %swap3A_18 = arith.constant 0 : index
    %swap3A_19 = arith.constant 0 : index
    %swap3A_20 = vector.load %arg5[%swap3A_18, %swap3A_19] : memref<10000x64xf32, #tpu.memory_space<vmem>>, vector<10000x64xf32>
    tpu.vector_store %arg5[%swap3A_18, %swap3A_19], %mul3A_17 {strides = array<i32>} : memref<10000x64xf32, #tpu.memory_space<vmem>>, vector<10000x64xf32>,
    return
  }
}

module attributes {stable_mosaic.version = 14 : i64} {
  func.func @_mid_body(%arg0: memref<2x10240x64xf32, #tpu.memory_space<vmem>>, %arg1: memref<10000x64xf32, #tpu.memory_space<vmem>>, %arg2: memref<10000x1xf32, #tpu.memory_space<vmem>>, %arg3: memref<1x64xf32, #tpu.memory_space<vmem>>, %arg4: memref<64x64xf32, #tpu.memory_space<vmem>>, %arg5: memref<10000x64xf32, #tpu.memory_space<vmem>>) attributes {dimension_semantics = [], scalar_prefetch = 0 : i64, scratch_operands = 0 : i64, tpu.core_type = #tpu.core_type<tc>} {
    %get3A = arith.constant 0 : index
    %get3A_0 = arith.constant 0 : index
    %get3A_1 = vector.load %arg2[%get3A, %get3A_0] : memref<10000x1xf32, #tpu.memory_space<vmem>>, vector<10000x1xf32>
    %get3A_2 = arith.constant 0 : index
    %get3A_3 = arith.constant 0 : index
    %get3A_4 = arith.constant 0 : index
    %get3A_5 = vector.load %arg0[%get3A_2, %get3A_3, %get3A_4] : memref<2x10240x64xf32, #tpu.memory_space<vmem>>, vector<1x10000x64xf32>
    %get3A_6 = vector.shape_cast %get3A_5 : vector<1x10000x64xf32> to vector<10000x64xf32>
    %get3A_7 = arith.constant 1 : index
    %get3A_8 = arith.constant 0 : index
    %get3A_9 = arith.constant 0 : index
    %get3A_10 = vector.load %arg0[%get3A_7, %get3A_8, %get3A_9] : memref<2x10240x64xf32, #tpu.memory_space<vmem>>, vector<1x10000x64xf32>
    %get3A_11 = vector.shape_cast %get3A_10 : vector<1x10000x64xf32> to vector<10000x64xf32>
    %add3A = arith.addf %get3A_6, %get3A_11 : vector<10000x64xf32>
    %get3A_12 = arith.constant 0 : index
    %get3A_13 = arith.constant 0 : index
    %get3A_14 = vector.load %arg1[%get3A_12, %get3A_13] : memref<10000x64xf32, #tpu.memory_space<vmem>>, vector<10000x64xf32>
    %add3A_15 = arith.addf %add3A, %get3A_14 : vector<10000x64xf32>
    %mul3A = vector.broadcast %get3A_1 : vector<10000x1xf32> to vector<10000x64xf32>
    %mul3A_16 = arith.mulf %mul3A, %add3A_15 : vector<10000x64xf32>
    %get3A_17 = arith.constant 0 : index
    %get3A_18 = arith.constant 0 : index
    %get3A_19 = vector.load %arg3[%get3A_17, %get3A_18] : memref<1x64xf32, #tpu.memory_space<vmem>>, vector<1x64xf32>
    %add3A_20 = vector.broadcast %get3A_19 : vector<1x64xf32> to vector<10000x64xf32>
    %add3A_21 = arith.addf %mul3A_16, %add3A_20 : vector<10000x64xf32>
    %max3A = arith.constant 0.000000e+00 : f32
    %max3A_22 = vector.broadcast %max3A : f32 to vector<10000x64xf32>
    %max3A_23 = arith.maximumf %add3A_21, %max3A_22 : vector<10000x64xf32>
    %get3A_24 = arith.constant 0 : index
    %get3A_25 = arith.constant 0 : index
    %get3A_26 = vector.load %arg4[%get3A_24, %get3A_25] : memref<64x64xf32, #tpu.memory_space<vmem>>, vector<64x64xf32>
    %dot_general3A = arith.constant dense<0.000000e+00> : vector<10000x64xf32>
    %dot_general3A_27 = tpu.matmul %max3A_23, %get3A_26, %dot_general3A {dimension_numbers = #tpu.dot_dimension_numbers<[1], [0], [0], [1], [0, 0, 1, 1], [], []>, transpose_lhs_hint = false} : vector<10000x64xf32>, vector<64x64xf32>, vector<10000x64xf32> -> vector<10000x64xf32>
    %mul3A_28 = vector.broadcast %get3A_1 : vector<10000x1xf32> to vector<10000x64xf32>
    %mul3A_29 = arith.mulf %dot_general3A_27, %mul3A_28 : vector<10000x64xf32>
    %swap3A = arith.constant 0 : index
    %swap3A_30 = arith.constant 0 : index
    %swap3A_31 = vector.load %arg5[%swap3A, %swap3A_30] : memref<10000x64xf32, #tpu.memory_space<vmem>>, vector<10000x64xf32>
    tpu.vector_store %arg5[%swap3A, %swap3A_30], %mul3A_29 {strides = array<i32>} : memref<10000x64xf32, #tpu.memory_space<vmem>>, vector<10000x64xf32>,
    return
  }
}

module attributes {stable_mosaic.version = 14 : i64} {
  func.func @_mid_body(%arg0: memref<2x10240x64xf32, #tpu.memory_space<vmem>>, %arg1: memref<10000x64xf32, #tpu.memory_space<vmem>>, %arg2: memref<10000x1xf32, #tpu.memory_space<vmem>>, %arg3: memref<1x64xf32, #tpu.memory_space<vmem>>, %arg4: memref<64x32xf32, #tpu.memory_space<vmem>>, %arg5: memref<10000x32xf32, #tpu.memory_space<vmem>>) attributes {dimension_semantics = [], scalar_prefetch = 0 : i64, scratch_operands = 0 : i64, tpu.core_type = #tpu.core_type<tc>} {
    %get3A = arith.constant 0 : index
    %get3A_0 = arith.constant 0 : index
    %get3A_1 = vector.load %arg2[%get3A, %get3A_0] : memref<10000x1xf32, #tpu.memory_space<vmem>>, vector<10000x1xf32>
    %get3A_2 = arith.constant 0 : index
    %get3A_3 = arith.constant 0 : index
    %get3A_4 = arith.constant 0 : index
    %get3A_5 = vector.load %arg0[%get3A_2, %get3A_3, %get3A_4] : memref<2x10240x64xf32, #tpu.memory_space<vmem>>, vector<1x10000x64xf32>
    %get3A_6 = vector.shape_cast %get3A_5 : vector<1x10000x64xf32> to vector<10000x64xf32>
    %get3A_7 = arith.constant 1 : index
    %get3A_8 = arith.constant 0 : index
    %get3A_9 = arith.constant 0 : index
    %get3A_10 = vector.load %arg0[%get3A_7, %get3A_8, %get3A_9] : memref<2x10240x64xf32, #tpu.memory_space<vmem>>, vector<1x10000x64xf32>
    %get3A_11 = vector.shape_cast %get3A_10 : vector<1x10000x64xf32> to vector<10000x64xf32>
    %add3A = arith.addf %get3A_6, %get3A_11 : vector<10000x64xf32>
    %get3A_12 = arith.constant 0 : index
    %get3A_13 = arith.constant 0 : index
    %get3A_14 = vector.load %arg1[%get3A_12, %get3A_13] : memref<10000x64xf32, #tpu.memory_space<vmem>>, vector<10000x64xf32>
    %add3A_15 = arith.addf %add3A, %get3A_14 : vector<10000x64xf32>
    %mul3A = vector.broadcast %get3A_1 : vector<10000x1xf32> to vector<10000x64xf32>
    %mul3A_16 = arith.mulf %mul3A, %add3A_15 : vector<10000x64xf32>
    %get3A_17 = arith.constant 0 : index
    %get3A_18 = arith.constant 0 : index
    %get3A_19 = vector.load %arg3[%get3A_17, %get3A_18] : memref<1x64xf32, #tpu.memory_space<vmem>>, vector<1x64xf32>
    %add3A_20 = vector.broadcast %get3A_19 : vector<1x64xf32> to vector<10000x64xf32>
    %add3A_21 = arith.addf %mul3A_16, %add3A_20 : vector<10000x64xf32>
    %max3A = arith.constant 0.000000e+00 : f32
    %max3A_22 = vector.broadcast %max3A : f32 to vector<10000x64xf32>
    %max3A_23 = arith.maximumf %add3A_21, %max3A_22 : vector<10000x64xf32>
    %get3A_24 = arith.constant 0 : index
    %get3A_25 = arith.constant 0 : index
    %get3A_26 = vector.load %arg4[%get3A_24, %get3A_25] : memref<64x32xf32, #tpu.memory_space<vmem>>, vector<64x32xf32>
    %dot_general3A = arith.constant dense<0.000000e+00> : vector<10000x32xf32>
    %dot_general3A_27 = tpu.matmul %max3A_23, %get3A_26, %dot_general3A {dimension_numbers = #tpu.dot_dimension_numbers<[1], [0], [0], [1], [0, 0, 1, 1], [], []>, transpose_lhs_hint = false} : vector<10000x64xf32>, vector<64x32xf32>, vector<10000x32xf32> -> vector<10000x32xf32>
    %mul3A_28 = vector.broadcast %get3A_1 : vector<10000x1xf32> to vector<10000x32xf32>
    %mul3A_29 = arith.mulf %dot_general3A_27, %mul3A_28 : vector<10000x32xf32>
    %swap3A = arith.constant 0 : index
    %swap3A_30 = arith.constant 0 : index
    %swap3A_31 = vector.load %arg5[%swap3A, %swap3A_30] : memref<10000x32xf32, #tpu.memory_space<vmem>>, vector<10000x32xf32>
    tpu.vector_store %arg5[%swap3A, %swap3A_30], %mul3A_29 {strides = array<i32>} : memref<10000x32xf32, #tpu.memory_space<vmem>>, vector<10000x32xf32>,
    return
  }
}

module attributes {stable_mosaic.version = 14 : i64} {
  func.func @_final_body(%arg0: memref<2x10240x32xf32, #tpu.memory_space<vmem>>, %arg1: memref<10000x32xf32, #tpu.memory_space<vmem>>, %arg2: memref<10000x1xf32, #tpu.memory_space<vmem>>, %arg3: memref<1x32xf32, #tpu.memory_space<vmem>>, %arg4: memref<32x4xf32, #tpu.memory_space<vmem>>, %arg5: memref<1x4xf32, #tpu.memory_space<vmem>>, %arg6: memref<10000x32xf32, #tpu.memory_space<vmem>>, %arg7: memref<10000x4xf32, #tpu.memory_space<vmem>>) attributes {dimension_semantics = [], scalar_prefetch = 0 : i64, scratch_operands = 0 : i64, tpu.core_type = #tpu.core_type<tc>} {
    %get3A = arith.constant 0 : index
    %get3A_0 = arith.constant 0 : index
    %get3A_1 = vector.load %arg2[%get3A, %get3A_0] : memref<10000x1xf32, #tpu.memory_space<vmem>>, vector<10000x1xf32>
    %get3A_2 = arith.constant 0 : index
    %get3A_3 = arith.constant 0 : index
    %get3A_4 = arith.constant 0 : index
    %get3A_5 = vector.load %arg0[%get3A_2, %get3A_3, %get3A_4] : memref<2x10240x32xf32, #tpu.memory_space<vmem>>, vector<1x10000x32xf32>
    %get3A_6 = vector.shape_cast %get3A_5 : vector<1x10000x32xf32> to vector<10000x32xf32>
    %get3A_7 = arith.constant 1 : index
    %get3A_8 = arith.constant 0 : index
    %get3A_9 = arith.constant 0 : index
    %get3A_10 = vector.load %arg0[%get3A_7, %get3A_8, %get3A_9] : memref<2x10240x32xf32, #tpu.memory_space<vmem>>, vector<1x10000x32xf32>
    %get3A_11 = vector.shape_cast %get3A_10 : vector<1x10000x32xf32> to vector<10000x32xf32>
    %add3A = arith.addf %get3A_6, %get3A_11 : vector<10000x32xf32>
    %get3A_12 = arith.constant 0 : index
    %get3A_13 = arith.constant 0 : index
    %get3A_14 = vector.load %arg1[%get3A_12, %get3A_13] : memref<10000x32xf32, #tpu.memory_space<vmem>>, vector<10000x32xf32>
    %add3A_15 = arith.addf %add3A, %get3A_14 : vector<10000x32xf32>
    %mul3A = vector.broadcast %get3A_1 : vector<10000x1xf32> to vector<10000x32xf32>
    %mul3A_16 = arith.mulf %mul3A, %add3A_15 : vector<10000x32xf32>
    %get3A_17 = arith.constant 0 : index
    %get3A_18 = arith.constant 0 : index
    %get3A_19 = vector.load %arg3[%get3A_17, %get3A_18] : memref<1x32xf32, #tpu.memory_space<vmem>>, vector<1x32xf32>
    %add3A_20 = vector.broadcast %get3A_19 : vector<1x32xf32> to vector<10000x32xf32>
    %add3A_21 = arith.addf %mul3A_16, %add3A_20 : vector<10000x32xf32>
    %max3A = arith.constant 0.000000e+00 : f32
    %max3A_22 = vector.broadcast %max3A : f32 to vector<10000x32xf32>
    %max3A_23 = arith.maximumf %add3A_21, %max3A_22 : vector<10000x32xf32>
    %swap3A = arith.constant 0 : index
    %swap3A_24 = arith.constant 0 : index
    %swap3A_25 = vector.load %arg6[%swap3A, %swap3A_24] : memref<10000x32xf32, #tpu.memory_space<vmem>>, vector<10000x32xf32>
    tpu.vector_store %arg6[%swap3A, %swap3A_24], %max3A_23 {strides = array<i32>} : memref<10000x32xf32, #tpu.memory_space<vmem>>, vector<10000x32xf32>,
    %get3A_26 = arith.constant 0 : index
    %get3A_27 = arith.constant 0 : index
    %get3A_28 = vector.load %arg4[%get3A_26, %get3A_27] : memref<32x4xf32, #tpu.memory_space<vmem>>, vector<32x4xf32>
    %dot_general3A = arith.constant dense<0.000000e+00> : vector<10000x4xf32>
    %dot_general3A_29 = tpu.matmul %max3A_23, %get3A_28, %dot_general3A {dimension_numbers = #tpu.dot_dimension_numbers<[1], [0], [0], [1], [0, 0, 1, 1], [], []>, transpose_lhs_hint = false} : vector<10000x32xf32>, vector<32x4xf32>, vector<10000x4xf32> -> vector<10000x4xf32>
    %get3A_30 = arith.constant 0 : index
    %get3A_31 = arith.constant 0 : index
    %get3A_32 = vector.load %arg5[%get3A_30, %get3A_31] : memref<1x4xf32, #tpu.memory_space<vmem>>, vector<1x4xf32>
    %add3A_33 = vector.broadcast %get3A_32 : vector<1x4xf32> to vector<10000x4xf32>
    %add3A_34 = arith.addf %dot_general3A_29, %add3A_33 : vector<10000x4xf32>
    %swap3A_35 = arith.constant 0 : index
    %swap3A_36 = arith.constant 0 : index
    %swap3A_37 = vector.load %arg7[%swap3A_35, %swap3A_36] : memref<10000x4xf32, #tpu.memory_space<vmem>>, vector<10000x4xf32>
    tpu.vector_store %arg7[%swap3A_35, %swap3A_36], %add3A_34 {strides = array<i32>} : memref<10000x4xf32, #tpu.memory_space<vmem>>, vector<10000x4xf32>,
    return
  }
}

</mosaic_0001>

<sc_bundles>
// kernel: kernel.10.cloned.1.call-start
scs
__scs_entry_jumppad:
0x0: {  	(pc) =	sbr.rel $0x88, $3  }
0x1: {  	(tag) =	ssettag $0x0;
	lr =	simm.s32 $0x1  }
0x2: {  	[smem:$0x3F97] =	sst lr;
	_ =	strace $0xD0000000  }
0x3: {  	_ = 	snop  }
0x4: {  	_ = 	snop  }
0x5: {  	_ = 	snop  }
0x6: {  	_ = 	snop  }
0x7: {  	_ = 	snop  }
__scs_overlays_trampoline_lowered:
0x8: {  	[smem:$0x3FA6] =	sst s0  }
0x9: {  	[smem:$0x3FA7] =	sst s1  }
0xa: {  	[smem:$0x3FA8] =	sst s2  }
0xb: {  	[smem:$0x3FA9] =	sst s3  }
0xc: {  	[smem:$0x3FAA] =	sst s4  }
0xd: {  	[smem:$0x3FAB] =	sst s5  }
0xe: {  	[smem:$0x3FAC] =	sst s6  }
0xf: {  	[smem:$0x3FAD] =	sst s7  }
0x10: {  	[smem:$0x3FAE] =	sst s8  }
0x11: {  	[smem:$0x3FAF] =	sst s9;
	s0 =	simm.s32 @!p0 $0x0  }
0x12: {  	s1 =	sld [smem:$0x3F95];
	s0 =	simm.s32 @p0 $0x1  }
0x13: {  	[smem:$0x3FB0] =	sst s0;
	s0 =	simm.s32 @!p1 $0x0  }
0x14: {  	s2 =	sld [smem:$0x3F94];
	s0 =	simm.s32 @p1 $0x1  }
0x15: {  	[smem:$0x3FB1] =	sst s0;
	s0 =	simm.s32 @!p2 $0x0  }
0x16: {  	s3 =	sld [smem:$0x3FDB];
	s0 =	simm.s32 @p2 $0x1  }
0x17: {  	s4 =	simm.s32 $0x1BF5;
	[smem:$0x3FB3] =	sst s0  }
0x18: {  	s0 =	sld [smem:$0x3F96];
	_ =	swait.ge [sflag:s4], $0x0  }
0x19: {  	s7 =	sld [smem:$0x3F97]  }
0x1a: {  	s8 =	sadd.s32 $0xFFFFE003, lr  }
0x1b: {  	s9 =	sadd.s32 $0xFFFFFEF7, lr;
	s5 =	simm.s32 $0xFFFFFFFF;
	p2 =	slt.u32 s8, $0xFFFFF086  }
0x1c: {  	p1 =	slt.u32 s9, $0xF7A;
	s5 =	simm.s32 @!p2 $0x0  }
0x1d: {  	s5 =	simm.s32 @p1 $0x1;
	p0 =	seq.s32 s7, s2  }
0x1e: {  	s7 =	smul.u32 @!p0 $0xF7A, s2;
	p2 =	seq.s32 @!p0 s5, $0x0  }
0x1f: {  	s9 =	smul.u32 $0xF7A, s1;
	s8 =	simm.s32 @!p0 $0x1BF5;
	p2 =	por !p2, p0  }
0x20: {  	[sflag:s8] =	ssyncset.s32 @!p0 $0xFFFFF086;
	s6 =	sadd.s32 @!p0 s3, s7;
	s7 =	simm.s32 @!p0 $0x108  }
0x21: {  	s3 =	sadd.s32 s3, s9;
	s6 =	sadd.s32 @!p0 $0x88, s6;
	s7 =	simm.s32 @p2 $0x1082  }
0x22: {  	[simem:s7], [sflag:s8] =	dma.local @!p0 [hbm:s6], $0xF7A  }
0x23: {  	s9 =	sor.u32 $0xD0000000, s2;
	s6 =	simm.s32 $0x108;
	_ =	swait.ge @!p0 [sflag:s8], $0x0  }
0x24: {  	s3 =	sadd.s32 $0x88, s3;
	s6 =	simm.s32 @!p1 $0x1082;
	[sflag:s4] =	ssyncset.s32 $0xFFFFF086  }
0x25: {  	[simem:s6], [sflag:s4] =	dma.local [hbm:s3], $0xF7A  }
0x26: {  	[smem:$0x3F97] =	sst s1;
	(tag) =	ssettag s2;
	_ =	strace s9  }
0x27: {  	s1 =	sld [smem:$0x3FA7]  }
0x28: {  	s2 =	sld [smem:$0x3FA8]  }
0x29: {  	s4 =	sld [smem:$0x3FAA]  }
0x2a: {  	p0 =	seq.s32 s5, $0x0;
	s5 =	sld [smem:$0x3FAB]  }
0x2b: {  	s6 =	sld [smem:$0x3FAC]  }
0x2c: {  	s7 =	sld [smem:$0x3FAD]  }
0x2d: {  	s3 =	simm.s32 $0x108;
	s8 =	sld [smem:$0x3FAE]  }
0x2e: {  	s3 =	simm.s32 @!p0 $0x1082;
	s9 =	sld [smem:$0x3FAF]  }
0x2f: {  	lr =	sadd.s32 s0, s3;
	s0 =	sld [smem:$0x3FA6]  }
0x30: {  	s3 =	sld [smem:$0x3FA9]  }
0x31: {  	[smem:$0x3FB2] =	sst s10  }
0x32: {  	s10 =	sld [smem:$0x3FB0];
	_ =	sdelay $0x3  }
0x33: {  	p0 =	seq.s32 s10, $0x1;
	s10 =	sld [smem:$0x3FB2];
	_ =	sdelay $0x3  }
0x34: {  	[smem:$0x3FB2] =	sst s10  }
0x35: {  	s10 =	sld [smem:$0x3FB1];
	_ =	sdelay $0x3  }
0x36: {  	p1 =	seq.s32 s10, $0x1;
	s10 =	sld [smem:$0x3FB2];
	_ =	sdelay $0x3  }
0x37: {  	[smem:$0x3FB2] =	sst s10  }
0x38: {  	s10 =	sld [smem:$0x3FB3]  }
0x39: {  	_ = 	snop;
	(pc) =	sbr.ind lr, $3  }
0x3a: {  	_ = 	snop  }
0x3b: {  	_ = 	snop  }
0x3c: {  	p2 =	seq.s32 s10, $0x1;
	s10 =	sld [smem:$0x3FB2]  }
0x3d: {  	_ =	shalt  }
0x3e: {  	_ =	shalt  }
0x3f: {  	_ =	shalt  }
0x40: {  	_ =	shalt  }
0x41: {  	_ =	shalt  }
0x42: {  	_ =	shalt  }
0x43: {  	_ =	shalt  }
0x44: {  	_ =	shalt  }
0x45: {  	_ =	shalt  }
0x46: {  	_ =	shalt  }
0x47: {  	_ =	shalt  }
0x48: {  	_ =	shalt  }
0x49: {  	_ =	shalt  }
0x4a: {  	_ =	shalt  }
0x4b: {  	_ =	shalt  }
0x4c: {  	_ =	shalt  }
0x4d: {  	_ =	shalt  }
0x4e: {  	_ =	shalt  }
0x4f: {  	_ =	shalt  }
0x50: {  	_ =	shalt  }
0x51: {  	_ =	shalt  }
0x52: {  	_ =	shalt  }
0x53: {  	_ =	shalt  }
0x54: {  	_ =	shalt  }
0x55: {  	_ =	shalt  }
0x56: {  	_ =	shalt  }
0x57: {  	_ =	shalt  }
0x58: {  	_ =	shalt  }
0x59: {  	_ =	shalt  }
0x5a: {  	_ =	shalt  }
0x5b: {  	_ =	shalt  }
0x5c: {  	_ =	shalt  }
0x5d: {  	_ =	shalt  }
0x5e: {  	_ =	shalt  }
0x5f: {  	_ =	shalt  }
0x60: {  	_ =	shalt  }
0x61: {  	_ =	shalt  }
0x62: {  	_ =	shalt  }
0x63: {  	_ =	shalt  }
0x64: {  	_ =	shalt  }
0x65: {  	_ =	shalt  }
0x66: {  	_ =	shalt  }
0x67: {  	_ =	shalt  }
0x68: {  	_ =	shalt  }
0x69: {  	_ =	shalt  }
0x6a: {  	_ =	shalt  }
0x6b: {  	_ =	shalt  }
0x6c: {  	_ =	shalt  }
0x6d: {  	_ =	shalt  }
0x6e: {  	_ =	shalt  }
0x6f: {  	_ =	shalt  }
0x70: {  	_ =	shalt  }
0x71: {  	_ =	shalt  }
0x72: {  	_ =	shalt  }
0x73: {  	_ =	shalt  }
0x74: {  	_ =	shalt  }
0x75: {  	_ =	shalt  }
0x76: {  	_ =	shalt  }
0x77: {  	_ =	shalt  }
0x78: {  	_ =	shalt  }
0x79: {  	_ =	shalt  }
0x7a: {  	_ =	shalt  }
0x7b: {  	_ =	shalt  }
0x7c: {  	_ =	shalt  }
0x7d: {  	_ =	shalt  }
0x7e: {  	_ =	shalt  }
0x7f: {  	_ =	shalt  }
0x80: {  	_ =	shalt  }
0x81: {  	_ =	shalt  }
0x82: {  	_ =	shalt  }
0x83: {  	_ =	shalt  }
0x84: {  	_ =	shalt  }
0x85: {  	_ =	shalt  }
0x86: {  	_ =	shalt  }
0x87: {  	_ =	shalt  }
.Lfunc_end0:
.L_simem_size_0:
called_computation_lowered:
.L_overlay_start_0:
0x88: {  	s2 =	sld [smem:$0x3FD9]  }
0x89: {  	s3 =	sld [smem:$0x3FFE];
	_ =	sdelay $0x1  }
0x8a: {  	s1 =	srdreg.scid  }
0x8b: {  	s0 =	sand.u32 $0x1, s1  }
0x8c: {  	s14 =	sshll.u32 s0, $0xA;
	s2 =	sadd.s32 s3, s2  }
0x8d: {  	s2 =	sadd.s32 s2, s14  }
0x8e: {  	[smem:$0x3FBE] =	sst s2  }
0x8f: {  	_ = 	snop  }
0x90: {  	s2 =	sld [smem:$0x3FD0];
	_ =	sdelay $0x2  }
0x91: {  	s15 =	simm.s32 $0xA;
	s4 =	simm.s32 $0x10  }
0x92: {  	[smem:s4], [sflag:s15] =	dma.local [hbm:s2], $0x1  }
0x93: {  	_ =	swait.eq [sflag:s15], $0x1  }
0x94: {  	[sflag:s15] =	ssyncset.done $0x0  }
0x95: {  	s16 =	sld [smem:$0x10];
	[sflag:s15] =	ssyncadd.s32 $0xFFFFFFFF  }
0x96: {  	s17 =	sld [smem:$0x11];
	(tm) =	ssettm $0x1  }
0x97: {  	s18 =	sld [smem:$0x3FFB];
	_ =	sdelay $0x3  }
0x98: {  	_ =	strace s18  }
0x99: {  	s4 =	sld [smem:$0x3FFC];
	_ =	sdelay $0x3  }
0x9a: {  	_ =	strace s4  }
0x9b: {  	s4 =	sld [smem:$0x3FFD];
	_ =	sdelay $0x3  }
0x9c: {  	_ =	strace s4  }
0x9d: {  	_ =	strace $0x8FFFFFFF  }
0x9e: {  	s19 =	sld [smem:$0x3FDB];
	_ =	sdelay $0x1  }
0x9f: {  	s5 =	simm.s32 $_scs_section_size  }
0xa0: {  	s6 =	simm.s32 $_size__tile_overlayer_lowered;
	s7 =	simm.s32 $_tile_overlayer_lowered  }
0xa1: {  	s22 =	simm.s32 $0x1BFF;
	s21 =	sshll.u32 s7, $0x1;
	s4 =	sadd.s32 s5, s19  }
0xa2: {  	s8 =	simm.s32 $0x0;
	s20 =	sshll.u32 s6, $0x1;
	s6 =	sadd.s32 s21, s4  }
0xa3: {  	[timem:s8], [sflag:s22] =	dma.local [hbm:s6], s20  }
0xa4: {  	_ =	swait.ge [sflag:s22], s20  }
0xa5: {  	s5 =	ssub.s32 $0x0, s20;
	[sflag:s22] =	ssyncset.done $0x0  }
0xa6: {  	[sflag:s22] =	ssyncadd.s32 s5;
	_ =	sdelay $0x1  }
0xa7: {  	s23 =	simm.s32 $0x1B8B  }
0xa8: {  	_ =	swait.ge [sflag:s23], $0x1  }
0xa9: {  	[sflag:s23] =	ssyncset.done $0x0  }
0xaa: {  	s25 =	simm.s32 $0x1B8E;
	s24 =	sld [smem:$0x3FFE];
	[sflag:s23] =	ssyncadd.s32 $0xFFFFFFFF  }
0xab: {  	s26 =	simm.s32 $execute0_lowered;
	[smem:$0x3FD2] =	sst s25  }
0xac: {  	s6 =	sshll.u32 s26, $0x1;
	_ =	strace $0x80000046;
	[dreg:$0x1] =	wrdreg $0xFFFFFFFF  }
0xad: {  	s28 =	simm.s32 $_size_execute0_lowered;
	s4 =	sadd.s32 s4, s6;
	[dreg:$0x0] =	wrdreg $0x0  }
0xae: {  	s6 =	sshll.u32 s28, $0x1;
	[dreg:$0x2] =	wrdreg s4  }
0xaf: {  	[dreg:$0x3] =	wrdreg s6  }
0xb0: {  	[dreg:$0x4] =	wrdreg $0xC0  }
0xb1: {  	_ =	task [dreg:s8], $0x5FFFF  }
0xb2: {  	[dreg:$0x1] =	wrdreg $0xFFFFFFFF  }
0xb3: {  	[dreg:$0x0] =	wrdreg $0x60  }
0xb4: {  	[dreg:$0x2] =	wrdreg s24  }
0xb5: {  	[dreg:$0x3] =	wrdreg s16  }
0xb6: {  	[dreg:$0x4] =	wrdreg s17  }
0xb7: {  	[dreg:$0x5] =	wrdreg $0x28800  }
0xb8: {  	[dreg:$0x6] =	wrdreg $0x9  }
0xb9: {  	_ =	task.clear_ibuf [dreg:s8], $0x7FFFF;
	_ =	strace $0x90000046  }
0xba: {  	s29 =	simm.s32 $0x9;
	_ =	strace $0x80000048  }
0xbb: {  	_ =	swait.ge [sflag:s29], $0x1  }
0xbc: {  	[sflag:s29] =	ssyncadd.s32 $0xFFFFFFFF  }
0xbd: {  	_ =	strace $0x90000048  }
0xbe: {  	_ =	sfence  }
0xbf: {  	s30 =	sld [smem:$0x0];
	_ =	sdelay $0x2  }
0xc0: {  	s31 =	sshll.u32 s1, $0xD;
	s1 =	sshrl.u32 s1, $0x2  }
0xc1: {  	s3 =	sand.u32 $0x4000, s31;
	s1 =	sadd.s32 s1, s30  }
0xc2: {  	s0 =	sor.u32 s3, s0;
	s1 =	sshll.u32 s1, $0x11  }
0xc3: {  	s0 =	sor.u32 s1, s0  }
0xc4: {  	s0 =	sadd.s32 $0x8F2B, s0  }
0xc5: {  	[sflag:s0] =	ssyncadd.remote.s32 $0x1  }
0xc6: {  	_ =	sfence.sel $0xFFFF  }
0xc7: {  	[dreg:$0x0] =	wrdreg $0xFFFFFFFF;
	(pc) =	sbr.abs _section_cstart, $3  }
0xc8: {  	[dreg:$0x1] =	wrdreg $0xFFFFFFFF  }
0xc9: {  	_ =	task.clear_ibuf [dreg:s8], $0x2FFFF;
	_ =	strace $0x9FFFFFFF  }
0xca: {  	(tm) =	ssettm $0x7FFFFFFF  }
0xcb: {  	_ =	shalt  }
tec
execute0_lowered:
.L_overlay_start_1:
0x0: {  	(tag) =	ssettag $0x1  }
0x1: {  	s4 =	rddreg [dreg:$0x0]  }
0x2: {  	s5 =	rddreg [dreg:$0x1]  }
0x3: {  	s0 =	srdreg.scid;
	s8 =	rddreg [dreg:$0x2]  }
0x4: {  	s2 =	rddreg [dreg:$0x3];
	s1 =	stileid.u32  }
0x5: {  	s3 =	simm.s32 $0x0;
	s13 =	simm.s32 $0x80;
	s14 =	simm.s32 $0x20  }
0x6: {  	s15 =	simm.s32 $0x10;
	s6 =	sand.u32 $0x1, s0;
	s0 =	rddreg [dreg:$0x4]  }
0x7: {  	s16 =	simm.s32 $0x0;
	[smem:$0x7FF] =	sst s3;
	s11 =	smul.u32 $0x280, s1  }
0x8: {  	s30 =	smul.u32 $0x500, s1;
	s31 =	sshll.u32 s1, $0x6;
	s7 =	sshll.u32 s6, $0x4  }
0x9: {  	_ =	strace $0x80000047;
	s9 =	ssub.s32 $0x2, s6;
	s6 =	sshll.u32 s6, $0x7  }
0xa: {  	s7 =	sor.u32 s1, s7;
	s10 =	sshrl.u32 s9, $0x1;
	s12 =	sadd.s32 s11, s2  }
0xb: {  	s11 =	sshrl.u32 s11, $0x3;
	s7 =	smul.u32 $0x500, s7;
	s9 =	ssub.s32 s9, s10  }
0xc: {  	s5 =	sadd.s32 s5, s11;
	s10 =	sor.u32 s6, s30;
	s6 =	sor.u32 $0x1C01, s31  }
0xd: {  	s11 =	simm.s32 $0x1;
	s10 =	sshrl.u32 s10, $0x3;
	s9 =	smax.u32 s9, $0x1  }
0xe: {  	s7 =	sadd.s32 s7, s4;
	s4 =	sadd.s32 $0xCC00, s4;
	s8 =	sadd.s32 s8, s10  }
0xf: {  	s10 =	sshrl.u32 s12, $0x3;
	s12 =	simm.s32 $0x2800;
	s7 =	sadd.s32 $0x2C00, s7  }
.LBB2_1:
0x10: {  	[spmem:s10], [sflag:s6] =	dma.local [hbm:s5], $0x50  }
0x11: {  	_ =	swait.ge [sflag:s11], $0x50  }
0x12: {  	[sflag:s11] =	ssyncset.done $0x0  }
0x13: {  	[sflag:s11] =	ssyncadd.s32 $0xFFFFFFB0  }
0x14: {  	[tilespmem:s3], [sflag:$0x1] =	stream.linear.gather [hbm4b:s7+s3], $0x2800, $0x38;
	[tilespmem:$0x2B00] =	vst v63  }
0x15: {  	_ =	swait.ge [sflag:s11], $0x2800  }
0x16: {  	[sflag:s11] =	ssyncset.done $0x0  }
0x17: {  	[sflag:s11] =	ssyncadd.s32 $0xFFFFD800  }
0x18: {  	[tilespmem:s12], [sflag:$0x1] =	stream.linear.gather [hbm4b:s4+s3], $0x80, $0x38;
	[tilespmem:$0x2B00] =	vst v63  }
0x19: {  	_ =	swait.ge [sflag:s11], $0x80  }
0x1a: {  	[sflag:s11] =	ssyncset.done $0x0  }
0x1b: {  	[sflag:s11] =	ssyncadd.s32 $0xFFFFFF80  }
0x1c: {  	s17 =	simm.s32 $0x0;
	[bflag:$0x0] =	sbarrier.arrive $0xFFFF  }
0x1d: {  	[spmem:s2] =	stream.indirect.scatter.add.f32 [tilespmem:s12], [sflag:$0x1], $0x1, s17, s13, $0xb8;
	[tilespmem:$0x2B00] =	vst v63  }
0x1e: {  	_ =	swait.ge [sflag:s11], $0x80  }
0x1f: {  	s17 =	simm.s32 $0x200;
	[sflag:s11] =	ssyncset.done $0x0  }
.LBB2_2:
0x20: {  	s18 =	sshra.s32 s17, $0x2;
	[sflag:s11] =	ssyncadd.s32 $0xFFFFFF80;
	p0 =	sne.s32 s17, $0x9E00  }
0x21: {  	[spmem:s2] =	stream.indirect.scatter.add.f32 [tilespmem:s12], [sflag:$0x1], $0x1, s18, s13, $0xb8;
	[tilespmem:$0x2B00] =	vst v63  }
.Ltmp0:
0x22: {  	_ = 	snop;
	(pc) =	sbr.rel @p0 .LBB2_2-.Ltmp0, $4  }
0x23: {  	_ = 	snop  }
0x24: {  	s17 =	sadd.s32 $0x200, s17  }
0x25: {  	_ =	swait.ge [sflag:s11], $0x80  }
0x26: {  	[sflag:s11] =	ssyncset.done $0x0  }
0x27: {  	s16 =	sadd.s32 $0x1, s16  }
0x28: {  	[sflag:s11] =	ssyncadd.s32 $0xFFFFFF80;
	p0 =	sne.s32 s16, s9  }
.Ltmp1:
0x29: {  	[bflag:$0x0] =	sbarrier.arrive $0xFFFF;
	(pc) =	sbr.rel @p0 .LBB2_1-.Ltmp1, $4  }
0x2a: {  	[hbm:s8@s14], [sflag:s6] =	dma.strided [spmem:s10@s15], $0x50, s11, $0x10   }
0x2b: {  	_ =	swait.ge [sflag:s11], $0x50  }
0x2c: {  	[sflag:s11] =	ssyncset.done $0x0  }
0x2d: {  	[sflag:s11] =	ssyncadd.s32 $0xFFFFFFB0  }
0x2e: {  	_ =	sfence.sel $0x180000  }
0x2f: {  	[bflag:$0x0] =	sbarrier.arrive $0xFFFF  }
0x30: {  	p0 =	sne.s32 s1, $0x0;
	_ =	strace $0x90000047  }
0x31: {  	s0 =	sadd.s32 @!p0 $0x100000, s0;
	[bflag:$0x2] =	sbarrier.arrive $0xFFFF  }
0x32: {  	[sflag:s0] =	ssyncadd.tile.s32 @!p0 $0x1;
	_ =	shalt  }
.Lfunc_end2:
_tile_overlayer_lowered:
.L_overlay_start_2:
0x33: {  	(tag) =	ssettag $0x2  }
0x34: {  	s0 =	rddreg [dreg:$0x0];
	s2 =	stileid.u32  }
0x35: {  	s1 =	rddreg [dreg:$0x1];
	p0 =	sne.s32 s2, $0x0  }
0x36: {  	s3 =	rddreg [dreg:$0x2];
	[bflag:$0x3] =	sbarrier.arrive $0xFFFF;
	s2 =	simm.s32 @!p0 $0x1C01  }
0x37: {  	[timem:s3], [sflag:s2] =	dma.local @!p0 [hbm:s0], s1  }
0x38: {  	s0 =	simm.s32 @!p0 $0x1  }
0x39: {  	_ =	swait.ge @!p0 [sflag:s0], s1  }
0x3a: {  	s1 =	ssub.s32 @!p0 $0x0, s1;
	[sflag:s0] =	ssyncset.done @!p0 $0x0  }
0x3b: {  	[sflag:s0] =	ssyncadd.s32 @!p0 s1  }
0x3c: {  	[bflag:$0x3] =	sbarrier.arrive $0xFFFF  }
0x3d: {  	_ =	shalt  }

// kernel: kernel.13.cloned.1.call-start
scs
__scs_entry_jumppad:
0x0: {  	(pc) =	sbr.rel $0x88, $3  }
0x1: {  	(tag) =	ssettag $0x0;
	lr =	simm.s32 $0x1  }
0x2: {  	[smem:$0x3F97] =	sst lr;
	_ =	strace $0xD0000000  }
0x3: {  	_ = 	snop  }
0x4: {  	_ = 	snop  }
0x5: {  	_ = 	snop  }
0x6: {  	_ = 	snop  }
0x7: {  	_ = 	snop  }
__scs_overlays_trampoline_lowered:
0x8: {  	[smem:$0x3FA6] =	sst s0  }
0x9: {  	[smem:$0x3FA7] =	sst s1  }
0xa: {  	[smem:$0x3FA8] =	sst s2  }
0xb: {  	[smem:$0x3FA9] =	sst s3  }
0xc: {  	[smem:$0x3FAA] =	sst s4  }
0xd: {  	[smem:$0x3FAB] =	sst s5  }
0xe: {  	[smem:$0x3FAC] =	sst s6  }
0xf: {  	[smem:$0x3FAD] =	sst s7  }
0x10: {  	[smem:$0x3FAE] =	sst s8  }
0x11: {  	[smem:$0x3FAF] =	sst s9;
	s0 =	simm.s32 @!p0 $0x0  }
0x12: {  	s1 =	sld [smem:$0x3F95];
	s0 =	simm.s32 @p0 $0x1  }
0x13: {  	[smem:$0x3FB0] =	sst s0;
	s0 =	simm.s32 @!p1 $0x0  }
0x14: {  	s2 =	sld [smem:$0x3F94];
	s0 =	simm.s32 @p1 $0x1  }
0x15: {  	[smem:$0x3FB1] =	sst s0;
	s0 =	simm.s32 @!p2 $0x0  }
0x16: {  	s3 =	sld [smem:$0x3FDB];
	s0 =	simm.s32 @p2 $0x1  }
0x17: {  	s4 =	simm.s32 $0x1BF5;
	[smem:$0x3FB3] =	sst s0  }
0x18: {  	s0 =	sld [smem:$0x3F96];
	_ =	swait.ge [sflag:s4], $0x0  }
0x19: {  	s7 =	sld [smem:$0x3F97]  }
0x1a: {  	s8 =	sadd.s32 $0xFFFFE003, lr  }
0x1b: {  	s9 =	sadd.s32 $0xFFFFFEF7, lr;
	s5 =	simm.s32 $0xFFFFFFFF;
	p2 =	slt.u32 s8, $0xFFFFF086  }
0x1c: {  	p1 =	slt.u32 s9, $0xF7A;
	s5 =	simm.s32 @!p2 $0x0  }
0x1d: {  	s5 =	simm.s32 @p1 $0x1;
	p0 =	seq.s32 s7, s2  }
0x1e: {  	s7 =	smul.u32 @!p0 $0xF7A, s2;
	p2 =	seq.s32 @!p0 s5, $0x0  }
0x1f: {  	s9 =	smul.u32 $0xF7A, s1;
	s8 =	simm.s32 @!p0 $0x1BF5;
	p2 =	por !p2, p0  }
0x20: {  	[sflag:s8] =	ssyncset.s32 @!p0 $0xFFFFF086;
	s6 =	sadd.s32 @!p0 s3, s7;
	s7 =	simm.s32 @!p0 $0x108  }
0x21: {  	s3 =	sadd.s32 s3, s9;
	s6 =	sadd.s32 @!p0 $0x88, s6;
	s7 =	simm.s32 @p2 $0x1082  }
0x22: {  	[simem:s7], [sflag:s8] =	dma.local @!p0 [hbm:s6], $0xF7A  }
0x23: {  	s9 =	sor.u32 $0xD0000000, s2;
	s6 =	simm.s32 $0x108;
	_ =	swait.ge @!p0 [sflag:s8], $0x0  }
0x24: {  	s3 =	sadd.s32 $0x88, s3;
	s6 =	simm.s32 @!p1 $0x1082;
	[sflag:s4] =	ssyncset.s32 $0xFFFFF086  }
0x25: {  	[simem:s6], [sflag:s4] =	dma.local [hbm:s3], $0xF7A  }
0x26: {  	[smem:$0x3F97] =	sst s1;
	(tag) =	ssettag s2;
	_ =	strace s9  }
0x27: {  	s1 =	sld [smem:$0x3FA7]  }
0x28: {  	s2 =	sld [smem:$0x3FA8]  }
0x29: {  	s4 =	sld [smem:$0x3FAA]  }
0x2a: {  	p0 =	seq.s32 s5, $0x0;
	s5 =	sld [smem:$0x3FAB]  }
0x2b: {  	s6 =	sld [smem:$0x3FAC]  }
0x2c: {  	s7 =	sld [smem:$0x3FAD]  }
0x2d: {  	s3 =	simm.s32 $0x108;
	s8 =	sld [smem:$0x3FAE]  }
0x2e: {  	s3 =	simm.s32 @!p0 $0x1082;
	s9 =	sld [smem:$0x3FAF]  }
0x2f: {  	lr =	sadd.s32 s0, s3;
	s0 =	sld [smem:$0x3FA6]  }
0x30: {  	s3 =	sld [smem:$0x3FA9]  }
0x31: {  	[smem:$0x3FB2] =	sst s10  }
0x32: {  	s10 =	sld [smem:$0x3FB0];
	_ =	sdelay $0x3  }
0x33: {  	p0 =	seq.s32 s10, $0x1;
	s10 =	sld [smem:$0x3FB2];
	_ =	sdelay $0x3  }
0x34: {  	[smem:$0x3FB2] =	sst s10  }
0x35: {  	s10 =	sld [smem:$0x3FB1];
	_ =	sdelay $0x3  }
0x36: {  	p1 =	seq.s32 s10, $0x1;
	s10 =	sld [smem:$0x3FB2];
	_ =	sdelay $0x3  }
0x37: {  	[smem:$0x3FB2] =	sst s10  }
0x38: {  	s10 =	sld [smem:$0x3FB3]  }
0x39: {  	_ = 	snop;
	(pc) =	sbr.ind lr, $3  }
0x3a: {  	_ = 	snop  }
0x3b: {  	_ = 	snop  }
0x3c: {  	p2 =	seq.s32 s10, $0x1;
	s10 =	sld [smem:$0x3FB2]  }
0x3d: {  	_ =	shalt  }
0x3e: {  	_ =	shalt  }
0x3f: {  	_ =	shalt  }
0x40: {  	_ =	shalt  }
0x41: {  	_ =	shalt  }
0x42: {  	_ =	shalt  }
0x43: {  	_ =	shalt  }
0x44: {  	_ =	shalt  }
0x45: {  	_ =	shalt  }
0x46: {  	_ =	shalt  }
0x47: {  	_ =	shalt  }
0x48: {  	_ =	shalt  }
0x49: {  	_ =	shalt  }
0x4a: {  	_ =	shalt  }
0x4b: {  	_ =	shalt  }
0x4c: {  	_ =	shalt  }
0x4d: {  	_ =	shalt  }
0x4e: {  	_ =	shalt  }
0x4f: {  	_ =	shalt  }
0x50: {  	_ =	shalt  }
0x51: {  	_ =	shalt  }
0x52: {  	_ =	shalt  }
0x53: {  	_ =	shalt  }
0x54: {  	_ =	shalt  }
0x55: {  	_ =	shalt  }
0x56: {  	_ =	shalt  }
0x57: {  	_ =	shalt  }
0x58: {  	_ =	shalt  }
0x59: {  	_ =	shalt  }
0x5a: {  	_ =	shalt  }
0x5b: {  	_ =	shalt  }
0x5c: {  	_ =	shalt  }
0x5d: {  	_ =	shalt  }
0x5e: {  	_ =	shalt  }
0x5f: {  	_ =	shalt  }
0x60: {  	_ =	shalt  }
0x61: {  	_ =	shalt  }
0x62: {  	_ =	shalt  }
0x63: {  	_ =	shalt  }
0x64: {  	_ =	shalt  }
0x65: {  	_ =	shalt  }
0x66: {  	_ =	shalt  }
0x67: {  	_ =	shalt  }
0x68: {  	_ =	shalt  }
0x69: {  	_ =	shalt  }
0x6a: {  	_ =	shalt  }
0x6b: {  	_ =	shalt  }
0x6c: {  	_ =	shalt  }
0x6d: {  	_ =	shalt  }
0x6e: {  	_ =	shalt  }
0x6f: {  	_ =	shalt  }
0x70: {  	_ =	shalt  }
0x71: {  	_ =	shalt  }
0x72: {  	_ =	shalt  }
0x73: {  	_ =	shalt  }
0x74: {  	_ =	shalt  }
0x75: {  	_ =	shalt  }
0x76: {  	_ =	shalt  }
0x77: {  	_ =	shalt  }
0x78: {  	_ =	shalt  }
0x79: {  	_ =	shalt  }
0x7a: {  	_ =	shalt  }
0x7b: {  	_ =	shalt  }
0x7c: {  	_ =	shalt  }
0x7d: {  	_ =	shalt  }
0x7e: {  	_ =	shalt  }
0x7f: {  	_ =	shalt  }
0x80: {  	_ =	shalt  }
0x81: {  	_ =	shalt  }
0x82: {  	_ =	shalt  }
0x83: {  	_ =	shalt  }
0x84: {  	_ =	shalt  }
0x85: {  	_ =	shalt  }
0x86: {  	_ =	shalt  }
0x87: {  	_ =	shalt  }
.Lfunc_end0:
.L_simem_size_0:
called_computation.1_lowered:
.L_overlay_start_0:
0x88: {  	s2 =	sld [smem:$0x3FD9]  }
0x89: {  	s3 =	sld [smem:$0x3FFE];
	_ =	sdelay $0x1  }
0x8a: {  	s1 =	srdreg.scid  }
0x8b: {  	s0 =	sand.u32 $0x1, s1  }
0x8c: {  	s16 =	sshll.u32 s0, $0xA;
	s2 =	sadd.s32 s3, s2  }
0x8d: {  	s2 =	sadd.s32 s2, s16  }
0x8e: {  	[smem:$0x3FBE] =	sst s2  }
0x8f: {  	_ = 	snop  }
0x90: {  	(tm) =	ssettm $0x1  }
0x91: {  	s17 =	sld [smem:$0x3FFB];
	_ =	sdelay $0x3  }
0x92: {  	_ =	strace s17  }
0x93: {  	s2 =	sld [smem:$0x3FFC];
	_ =	sdelay $0x3  }
0x94: {  	_ =	strace s2  }
0x95: {  	s2 =	sld [smem:$0x3FFD];
	_ =	sdelay $0x3  }
0x96: {  	_ =	strace s2  }
0x97: {  	_ =	strace $0x8FFFFFFF  }
0x98: {  	s18 =	sld [smem:$0x3FDB];
	_ =	sdelay $0x1  }
0x99: {  	s19 =	simm.s32 $_scs_section_size  }
0x9a: {  	s4 =	simm.s32 $_size__tile_overlayer_lowered;
	s5 =	simm.s32 $_tile_overlayer_lowered  }
0x9b: {  	s22 =	simm.s32 $0x1BFF;
	s21 =	sshll.u32 s5, $0x1;
	s2 =	sadd.s32 s19, s18  }
0x9c: {  	s6 =	simm.s32 $0x0;
	s20 =	sshll.u32 s4, $0x1;
	s4 =	sadd.s32 s21, s2  }
0x9d: {  	[timem:s6], [sflag:s22] =	dma.local [hbm:s4], s20  }
0x9e: {  	_ =	swait.ge [sflag:s22], s20  }
0x9f: {  	s3 =	ssub.s32 $0x0, s20;
	[sflag:s22] =	ssyncset.done $0x0  }
0xa0: {  	[sflag:s22] =	ssyncadd.s32 s3;
	_ =	sdelay $0x1  }
0xa1: {  	s23 =	simm.s32 $0x1B8B  }
0xa2: {  	_ =	swait.ge [sflag:s23], $0x1  }
0xa3: {  	[sflag:s23] =	ssyncset.done $0x0  }
0xa4: {  	s25 =	simm.s32 $0x1B8E;
	s24 =	sld [smem:$0x3FFE];
	[sflag:s23] =	ssyncadd.s32 $0xFFFFFFFF  }
0xa5: {  	s26 =	simm.s32 $execute0_lowered;
	[smem:$0x3FD2] =	sst s25  }
0xa6: {  	s4 =	sshll.u32 s26, $0x1;
	_ =	strace $0x80000049;
	[dreg:$0x1] =	wrdreg $0xFFFFFFFF  }
0xa7: {  	s28 =	simm.s32 $_size_execute0_lowered;
	s2 =	sadd.s32 s2, s4;
	[dreg:$0x0] =	wrdreg $0x0  }
0xa8: {  	s4 =	sshll.u32 s28, $0x1;
	[dreg:$0x2] =	wrdreg s2  }
0xa9: {  	[dreg:$0x3] =	wrdreg s4  }
0xaa: {  	[dreg:$0x4] =	wrdreg $0xC0  }
0xab: {  	_ =	task [dreg:s6], $0x5FFFF  }
0xac: {  	[dreg:$0x1] =	wrdreg $0xFFFFFFFF  }
0xad: {  	[dreg:$0x0] =	wrdreg $0x60  }
0xae: {  	[dreg:$0x2] =	wrdreg s24  }
0xaf: {  	[dreg:$0x3] =	wrdreg $0x90000  }
0xb0: {  	[dreg:$0x4] =	wrdreg $0x130000  }
0xb1: {  	[dreg:$0x5] =	wrdreg $0x9  }
0xb2: {  	_ =	task.clear_ibuf [dreg:s6], $0x6FFFF;
	_ =	strace $0x90000049  }
0xb3: {  	s29 =	simm.s32 $0x9;
	_ =	strace $0x8000004B  }
0xb4: {  	_ =	swait.ge [sflag:s29], $0x1  }
0xb5: {  	[sflag:s29] =	ssyncadd.s32 $0xFFFFFFFF  }
0xb6: {  	_ =	strace $0x9000004B  }
0xb7: {  	_ =	sfence  }
0xb8: {  	s30 =	sld [smem:$0x0];
	_ =	sdelay $0x2  }
0xb9: {  	s31 =	sshll.u32 s1, $0xD;
	s1 =	sshrl.u32 s1, $0x2  }
0xba: {  	s3 =	sand.u32 $0x4000, s31;
	s1 =	sadd.s32 s1, s30  }
0xbb: {  	s0 =	sor.u32 s3, s0;
	s1 =	sshll.u32 s1, $0x11  }
0xbc: {  	s0 =	sor.u32 s1, s0  }
0xbd: {  	s0 =	sadd.s32 $0x8F2B, s0  }
0xbe: {  	[sflag:s0] =	ssyncadd.remote.s32 $0x1  }
0xbf: {  	_ =	sfence.sel $0xFFFF  }
0xc0: {  	[dreg:$0x0] =	wrdreg $0xFFFFFFFF;
	(pc) =	sbr.abs _section_cstart, $3  }
0xc1: {  	[dreg:$0x1] =	wrdreg $0xFFFFFFFF  }
0xc2: {  	_ =	task.clear_ibuf [dreg:s6], $0x2FFFF;
	_ =	strace $0x9FFFFFFF  }
0xc3: {  	(tm) =	ssettm $0x7FFFFFFF  }
tec
execute0_lowered:
.L_overlay_start_1:
0x0: {  	(tag) =	ssettag $0x1  }
0x1: {  	s6 =	rddreg [dreg:$0x0]  }
0x2: {  	s2 =	rddreg [dreg:$0x1]  }
0x3: {  	s0 =	srdreg.scid;
	s3 =	rddreg [dreg:$0x2];
	s4 =	simm.s32 $0x0  }
0x4: {  	s16 =	simm.s32 $0x80;
	s17 =	simm.s32 $0x5000;
	s18 =	simm.s32 $0x7000  }
0x5: {  	s19 =	simm.s32 $0x1;
	s20 =	simm.s32 $0x2;
	s21 =	simm.s32 $0x2780  }
0x6: {  	s22 =	simm.s32 $0x4F00;
	s5 =	sand.u32 $0x1, s0;
	s0 =	stileid.u32  }
0x7: {  	s23 =	simm.s32 $0x4F80;
	s24 =	simm.s32 $0x0;
	s8 =	smul.u32 $0x9C40, s0  }
0x8: {  	[smem:$0x7FF] =	sst s4;
	s1 =	sshll.u32 s5, $0x4;
	s9 =	smul.u32 $0xA000, s0  }
0x9: {  	s10 =	smul.u32 $0xA0000, s5;
	s5 =	ssub.s32 $0x2, s5;
	s1 =	sor.u32 s0, s1  }
0xa: {  	s31 =	sshll.u32 s0, $0x6;
	s30 =	sshrl.u32 s5, $0x1;
	s7 =	smul.u32 $0x500, s1  }
0xb: {  	s1 =	rddreg [dreg:$0x3];
	_ =	strace $0x8000004A;
	s11 =	sshrl.u32 s8, $0x3  }
0xc: {  	s10 =	sadd.s32 s9, s10;
	s29 =	sshrl.u32 s9, $0x3;
	s13 =	ssub.s32 s5, s30  }
0xd: {  	s14 =	sadd.s32 s9, s2;
	s15 =	sadd.s32 s8, s3;
	s28 =	sadd.s32 s11, s6  }
0xe: {  	s10 =	sshrl.u32 s10, $0x3;
	s11 =	sadd.s32 s29, s6;
	s12 =	sadd.s32 s7, s6  }
0xf: {  	s10 =	sadd.s32 s10, s6;
	s5 =	sadd.s32 $0x2A800, s11;
	s6 =	sor.u32 $0x1C03, s31  }
0x10: {  	s7 =	sadd.s32 $0x16E00, s28;
	s11 =	smax.u32 s13, $0x1;
	s13 =	simm.s32 $0x3  }
0x11: {  	s8 =	sadd.s32 $0xCE00, s12;
	s9 =	sadd.s32 $0x2C00, s12;
	s10 =	sadd.s32 $0x3E800, s10  }
0x12: {  	s12 =	sshrl.u32 s14, $0x3;
	s14 =	sshrl.u32 s15, $0x3;
	s15 =	simm.s32 $0x2800  }
.LBB2_1:
0x13: {  	[spmem:s12], [sflag:s6] =	dma.local [hbm:s5], $0x1400  }
0x14: {  	_ =	swait.ge [sflag:s13], $0x1400  }
0x15: {  	[sflag:s13] =	ssyncset.done $0x0  }
0x16: {  	[sflag:s13] =	ssyncadd.s32 $0xFFFFEC00  }
0x17: {  	[spmem:s14], [sflag:s6] =	dma.local [hbm:s7], $0x1388  }
0x18: {  	_ =	swait.ge [sflag:s13], $0x1388  }
0x19: {  	[sflag:s13] =	ssyncset.done $0x0  }
0x1a: {  	[sflag:s13] =	ssyncadd.s32 $0xFFFFEC78  }
0x1b: {  	[tilespmem:s4], [sflag:$0x3] =	stream.linear.gather [hbm4b:s8+s4], $0x2800, $0x38;
	[tilespmem:$0x1CC40] =	vst v63  }
0x1c: {  	_ =	swait.ge [sflag:s13], $0x2800  }
0x1d: {  	[sflag:s13] =	ssyncset.done $0x0  }
0x1e: {  	[sflag:s13] =	ssyncadd.s32 $0xFFFFD800  }
0x1f: {  	[tilespmem:s15], [sflag:$0x3] =	stream.linear.gather [hbm4b:s9+s4], $0x2800, $0x38;
	[tilespmem:$0x1CC40] =	vst v63  }
0x20: {  	_ =	swait.ge [sflag:s13], $0x2800  }
0x21: {  	[sflag:s13] =	ssyncset.done $0x0  }
0x22: {  	[sflag:s13] =	ssyncadd.s32 $0xFFFFD800  }
0x23: {  	[bflag:$0x0] =	sbarrier.arrive $0xFFFF  }
0x24: {  	[tilespmem:s17], [sflag:$0x1] =	stream.indirect.gather [spmem:s3], $0x40, s4, s16, $0xb8;
	[tilespmem:$0x1CC40] =	vst v63  }
0x25: {  	s25 =	simm.s32 $0x80  }
0x26: {  	[tilespmem:s18], [sflag:$0x2] =	stream.indirect.gather [spmem:s3], $0x40, s25, s16, $0xb8;
	[tilespmem:$0x1CC40] =	vst v63  }
0x27: {  	_ =	swait.ge [sflag:s19], $0x2000  }
0x28: {  	[sflag:s19] =	ssyncset.done $0x0  }
0x29: {  	s29 =	simm.s32 $0x2800;
	[sflag:s19] =	ssyncadd.s32 $0xFFFFE000  }
0x2a: {  	[spmem:s2] =	stream.indirect.scatter.add.f32 [tilespmem:s17], [sflag:$0x3], $0x40, s29, s16, $0xb8;
	[tilespmem:$0x1CC40] =	vst v63  }
0x2b: {  	_ =	swait.ge [sflag:s13], $0x2000  }
0x2c: {  	[sflag:s13] =	ssyncset.done $0x0  }
0x2d: {  	s30 =	simm.s32 $0x100;
	[sflag:s13] =	ssyncadd.s32 $0xFFFFE000  }
0x2e: {  	[tilespmem:s17], [sflag:$0x1] =	stream.indirect.gather [spmem:s3], $0x40, s30, s16, $0xb8;
	[tilespmem:$0x1CC40] =	vst v63  }
0x2f: {  	_ =	swait.ge [sflag:s20], $0x2000  }
0x30: {  	[sflag:s20] =	ssyncset.done $0x0  }
0x31: {  	s31 =	simm.s32 $0x2880;
	[sflag:s20] =	ssyncadd.s32 $0xFFFFE000  }
0x32: {  	[spmem:s2] =	stream.indirect.scatter.add.f32 [tilespmem:s18], [sflag:$0x3], $0x40, s31, s16, $0xb8;
	[tilespmem:$0x1CC40] =	vst v63  }
0x33: {  	_ =	swait.ge [sflag:s13], $0x2000  }
0x34: {  	s26 =	simm.s32 $0x800;
	s25 =	simm.s32 $0x100;
	[sflag:s13] =	ssyncset.done $0x0  }
.LBB2_2:
0x35: {  	s28 =	sadd.s32 $0x80, s25  }
0x36: {  	[sflag:s13] =	ssyncadd.s32 $0xFFFFE000;
	s29 =	smov.u32 s26;
	s30 =	sadd.s32 $0x400, s26  }
0x37: {  	[tilespmem:s18], [sflag:$0x2] =	stream.indirect.gather [spmem:s3], $0x40, s28, s16, $0xb8;
	[tilespmem:$0x1CC40] =	vst v63  }
0x38: {  	p0 =	sne.s32 s26, $0x9800;
	_ =	swait.ge [sflag:s19], $0x2000  }
0x39: {  	[sflag:s19] =	ssyncset.done $0x0  }
0x3a: {  	s26 =	sadd.s32 $0x2800, s25;
	[sflag:s19] =	ssyncadd.s32 $0xFFFFE000  }
0x3b: {  	[spmem:s2] =	stream.indirect.scatter.add.f32 [tilespmem:s17], [sflag:$0x3], $0x40, s26, s16, $0xb8;
	[tilespmem:$0x1CC40] =	vst v63  }
0x3c: {  	_ =	swait.ge [sflag:s13], $0x2000  }
0x3d: {  	[sflag:s13] =	ssyncset.done $0x0  }
0x3e: {  	s26 =	sadd.s32 $0x100, s25;
	[sflag:s13] =	ssyncadd.s32 $0xFFFFE000  }
0x3f: {  	[tilespmem:s17], [sflag:$0x1] =	stream.indirect.gather [spmem:s3], $0x40, s26, s16, $0xb8;
	[tilespmem:$0x1CC40] =	vst v63  }
0x40: {  	_ =	swait.ge [sflag:s20], $0x2000  }
.Ltmp0:
0x41: {  	[sflag:s20] =	ssyncset.done $0x0;
	(pc) =	sbr.rel @p0 .LBB2_2-.Ltmp0, $4  }
0x42: {  	s25 =	sadd.s32 $0x2880, s25;
	[sflag:s20] =	ssyncadd.s32 $0xFFFFE000  }
0x43: {  	[spmem:s2] =	stream.indirect.scatter.add.f32 [tilespmem:s18], [sflag:$0x3], $0x40, s25, s16, $0xb8;
	[tilespmem:$0x1CC40] =	vst v63  }
0x44: {  	_ =	swait.ge [sflag:s13], $0x2000  }
0x45: {  	s26 =	smov.u32 s30;
	s25 =	sshra.s32 s29, $0x2;
	[sflag:s13] =	ssyncset.done $0x0  }
0x46: {  	s26 =	sadd.s32 $0x80, s25;
	[sflag:s13] =	ssyncadd.s32 $0xFFFFE000  }
0x47: {  	[tilespmem:s18], [sflag:$0x2] =	stream.indirect.gather [spmem:s3], $0x40, s26, s16, $0xb8;
	[tilespmem:$0x1CC40] =	vst v63  }
0x48: {  	_ =	swait.ge [sflag:s19], $0x2000  }
0x49: {  	[sflag:s19] =	ssyncset.done $0x0  }
0x4a: {  	s29 =	sadd.s32 $0x2800, s25;
	[sflag:s19] =	ssyncadd.s32 $0xFFFFE000  }
0x4b: {  	[spmem:s2] =	stream.indirect.scatter.add.f32 [tilespmem:s17], [sflag:$0x3], $0x40, s29, s16, $0xb8;
	[tilespmem:$0x1CC40] =	vst v63  }
0x4c: {  	_ =	swait.ge [sflag:s13], $0x2000  }
0x4d: {  	[sflag:s13] =	ssyncset.done $0x0  }
0x4e: {  	s30 =	sadd.s32 $0x100, s25;
	[sflag:s13] =	ssyncadd.s32 $0xFFFFE000  }
0x4f: {  	[tilespmem:s17], [sflag:$0x1] =	stream.indirect.gather [spmem:s3], $0x40, s30, s16, $0xb8;
	[tilespmem:$0x1CC40] =	vst v63  }
0x50: {  	_ =	swait.ge [sflag:s20], $0x2000  }
0x51: {  	[sflag:s20] =	ssyncset.done $0x0  }
0x52: {  	s31 =	sadd.s32 $0x2880, s25;
	[sflag:s20] =	ssyncadd.s32 $0xFFFFE000  }
0x53: {  	[spmem:s2] =	stream.indirect.scatter.add.f32 [tilespmem:s18], [sflag:$0x3], $0x40, s31, s16, $0xb8;
	[tilespmem:$0x1CC40] =	vst v63  }
0x54: {  	_ =	swait.ge [sflag:s13], $0x2000  }
0x55: {  	[sflag:s13] =	ssyncset.done $0x0  }
0x56: {  	[sflag:s13] =	ssyncadd.s32 $0xFFFFE000  }
0x57: {  	[tilespmem:s18], [sflag:$0x2] =	stream.indirect.gather [spmem:s3], $0x40, s21, s16, $0xb8;
	[tilespmem:$0x1CC40] =	vst v63  }
0x58: {  	_ =	swait.ge [sflag:s19], $0x2000  }
0x59: {  	[sflag:s19] =	ssyncset.done $0x0  }
0x5a: {  	[sflag:s19] =	ssyncadd.s32 $0xFFFFE000  }
0x5b: {  	[spmem:s2] =	stream.indirect.scatter.add.f32 [tilespmem:s17], [sflag:$0x3], $0x40, s22, s16, $0xb8;
	[tilespmem:$0x1CC40] =	vst v63  }
0x5c: {  	_ =	swait.ge [sflag:s13], $0x2000  }
0x5d: {  	[sflag:s13] =	ssyncset.done $0x0  }
0x5e: {  	[sflag:s13] =	ssyncadd.s32 $0xFFFFE000  }
0x5f: {  	_ =	swait.ge [sflag:s20], $0x2000  }
0x60: {  	[sflag:s20] =	ssyncset.done $0x0  }
0x61: {  	[sflag:s20] =	ssyncadd.s32 $0xFFFFE000  }
0x62: {  	[spmem:s2] =	stream.indirect.scatter.add.f32 [tilespmem:s18], [sflag:$0x3], $0x40, s23, s16, $0xb8;
	[tilespmem:$0x1CC40] =	vst v63  }
0x63: {  	_ =	swait.ge [sflag:s13], $0x2000  }
0x64: {  	s24 =	sadd.s32 $0x1, s24;
	[sflag:s13] =	ssyncset.done $0x0  }
0x65: {  	p0 =	sne.s32 s24, s11;
	[sflag:s13] =	ssyncadd.s32 $0xFFFFE000  }
.Ltmp1:
0x66: {  	[bflag:$0x0] =	sbarrier.arrive $0xFFFF;
	(pc) =	sbr.rel @p0 .LBB2_1-.Ltmp1, $4  }
0x67: {  	[hbm:s10], [sflag:s6] =	dma.local [spmem:s12], $0x1400  }
0x68: {  	_ =	swait.ge [sflag:s13], $0x1400  }
0x69: {  	[sflag:s13] =	ssyncset.done $0x0  }
0x6a: {  	[sflag:s13] =	ssyncadd.s32 $0xFFFFEC00  }
0x6b: {  	_ =	sfence.sel $0x180000  }
0x6c: {  	[bflag:$0x0] =	sbarrier.arrive $0xFFFF  }
0x6d: {  	p0 =	sne.s32 s0, $0x0;
	_ =	strace $0x9000004A  }
0x6e: {  	s0 =	sadd.s32 @!p0 $0x100000, s1;
	[bflag:$0x2] =	sbarrier.arrive $0xFFFF  }
0x6f: {  	[sflag:s0] =	ssyncadd.tile.s32 @!p0 $0x1;
	_ =	shalt  }
.Lfunc_end2:
_tile_overlayer_lowered:
.L_overlay_start_2:
0x70: {  	(tag) =	ssettag $0x2  }
0x71: {  	s0 =	rddreg [dreg:$0x0];
	s2 =	stileid.u32  }
0x72: {  	s1 =	rddreg [dreg:$0x1];
	p0 =	sne.s32 s2, $0x0  }
0x73: {  	s3 =	rddreg [dreg:$0x2];
	[bflag:$0x3] =	sbarrier.arrive $0xFFFF;
	s2 =	simm.s32 @!p0 $0x1C03  }
0x74: {  	[timem:s3], [sflag:s2] =	dma.local @!p0 [hbm:s0], s1  }
0x75: {  	s0 =	simm.s32 @!p0 $0x3  }
0x76: {  	_ =	swait.ge @!p0 [sflag:s0], s1  }
0x77: {  	s1 =	ssub.s32 @!p0 $0x0, s1;
	[sflag:s0] =	ssyncset.done @!p0 $0x0  }
0x78: {  	[sflag:s0] =	ssyncadd.s32 @!p0 s1  }
0x79: {  	[bflag:$0x3] =	sbarrier.arrive $0xFFFF  }
0x7a: {  	_ =	shalt  }

// kernel: kernel.16.cloned.1.call-start
scs
__scs_entry_jumppad:
0x0: {  	(pc) =	sbr.rel $0x88, $3  }
0x1: {  	(tag) =	ssettag $0x0;
	lr =	simm.s32 $0x1  }
0x2: {  	[smem:$0x3F97] =	sst lr;
	_ =	strace $0xD0000000  }
0x3: {  	_ = 	snop  }
0x4: {  	_ = 	snop  }
0x5: {  	_ = 	snop  }
0x6: {  	_ = 	snop  }
0x7: {  	_ = 	snop  }
__scs_overlays_trampoline_lowered:
0x8: {  	[smem:$0x3FA6] =	sst s0  }
0x9: {  	[smem:$0x3FA7] =	sst s1  }
0xa: {  	[smem:$0x3FA8] =	sst s2  }
0xb: {  	[smem:$0x3FA9] =	sst s3  }
0xc: {  	[smem:$0x3FAA] =	sst s4  }
0xd: {  	[smem:$0x3FAB] =	sst s5  }
0xe: {  	[smem:$0x3FAC] =	sst s6  }
0xf: {  	[smem:$0x3FAD] =	sst s7  }
0x10: {  	[smem:$0x3FAE] =	sst s8  }
0x11: {  	[smem:$0x3FAF] =	sst s9;
	s0 =	simm.s32 @!p0 $0x0  }
0x12: {  	s1 =	sld [smem:$0x3F95];
	s0 =	simm.s32 @p0 $0x1  }
0x13: {  	[smem:$0x3FB0] =	sst s0;
	s0 =	simm.s32 @!p1 $0x0  }
0x14: {  	s2 =	sld [smem:$0x3F94];
	s0 =	simm.s32 @p1 $0x1  }
0x15: {  	[smem:$0x3FB1] =	sst s0;
	s0 =	simm.s32 @!p2 $0x0  }
0x16: {  	s3 =	sld [smem:$0x3FDB];
	s0 =	simm.s32 @p2 $0x1  }
0x17: {  	s4 =	simm.s32 $0x1BF5;
	[smem:$0x3FB3] =	sst s0  }
0x18: {  	s0 =	sld [smem:$0x3F96];
	_ =	swait.ge [sflag:s4], $0x0  }
0x19: {  	s7 =	sld [smem:$0x3F97]  }
0x1a: {  	s8 =	sadd.s32 $0xFFFFE003, lr  }
0x1b: {  	s9 =	sadd.s32 $0xFFFFFEF7, lr;
	s5 =	simm.s32 $0xFFFFFFFF;
	p2 =	slt.u32 s8, $0xFFFFF086  }
0x1c: {  	p1 =	slt.u32 s9, $0xF7A;
	s5 =	simm.s32 @!p2 $0x0  }
0x1d: {  	s5 =	simm.s32 @p1 $0x1;
	p0 =	seq.s32 s7, s2  }
0x1e: {  	s7 =	smul.u32 @!p0 $0xF7A, s2;
	p2 =	seq.s32 @!p0 s5, $0x0  }
0x1f: {  	s9 =	smul.u32 $0xF7A, s1;
	s8 =	simm.s32 @!p0 $0x1BF5;
	p2 =	por !p2, p0  }
0x20: {  	[sflag:s8] =	ssyncset.s32 @!p0 $0xFFFFF086;
	s6 =	sadd.s32 @!p0 s3, s7;
	s7 =	simm.s32 @!p0 $0x108  }
0x21: {  	s3 =	sadd.s32 s3, s9;
	s6 =	sadd.s32 @!p0 $0x88, s6;
	s7 =	simm.s32 @p2 $0x1082  }
0x22: {  	[simem:s7], [sflag:s8] =	dma.local @!p0 [hbm:s6], $0xF7A  }
0x23: {  	s9 =	sor.u32 $0xD0000000, s2;
	s6 =	simm.s32 $0x108;
	_ =	swait.ge @!p0 [sflag:s8], $0x0  }
0x24: {  	s3 =	sadd.s32 $0x88, s3;
	s6 =	simm.s32 @!p1 $0x1082;
	[sflag:s4] =	ssyncset.s32 $0xFFFFF086  }
0x25: {  	[simem:s6], [sflag:s4] =	dma.local [hbm:s3], $0xF7A  }
0x26: {  	[smem:$0x3F97] =	sst s1;
	(tag) =	ssettag s2;
	_ =	strace s9  }
0x27: {  	s1 =	sld [smem:$0x3FA7]  }
0x28: {  	s2 =	sld [smem:$0x3FA8]  }
0x29: {  	s4 =	sld [smem:$0x3FAA]  }
0x2a: {  	p0 =	seq.s32 s5, $0x0;
	s5 =	sld [smem:$0x3FAB]  }
0x2b: {  	s6 =	sld [smem:$0x3FAC]  }
0x2c: {  	s7 =	sld [smem:$0x3FAD]  }
0x2d: {  	s3 =	simm.s32 $0x108;
	s8 =	sld [smem:$0x3FAE]  }
0x2e: {  	s3 =	simm.s32 @!p0 $0x1082;
	s9 =	sld [smem:$0x3FAF]  }
0x2f: {  	lr =	sadd.s32 s0, s3;
	s0 =	sld [smem:$0x3FA6]  }
0x30: {  	s3 =	sld [smem:$0x3FA9]  }
0x31: {  	[smem:$0x3FB2] =	sst s10  }
0x32: {  	s10 =	sld [smem:$0x3FB0];
	_ =	sdelay $0x3  }
0x33: {  	p0 =	seq.s32 s10, $0x1;
	s10 =	sld [smem:$0x3FB2];
	_ =	sdelay $0x3  }
0x34: {  	[smem:$0x3FB2] =	sst s10  }
0x35: {  	s10 =	sld [smem:$0x3FB1];
	_ =	sdelay $0x3  }
0x36: {  	p1 =	seq.s32 s10, $0x1;
	s10 =	sld [smem:$0x3FB2];
	_ =	sdelay $0x3  }
0x37: {  	[smem:$0x3FB2] =	sst s10  }
0x38: {  	s10 =	sld [smem:$0x3FB3]  }
0x39: {  	_ = 	snop;
	(pc) =	sbr.ind lr, $3  }
0x3a: {  	_ = 	snop  }
0x3b: {  	_ = 	snop  }
0x3c: {  	p2 =	seq.s32 s10, $0x1;
	s10 =	sld [smem:$0x3FB2]  }
0x3d: {  	_ =	shalt  }
0x3e: {  	_ =	shalt  }
0x3f: {  	_ =	shalt  }
0x40: {  	_ =	shalt  }
0x41: {  	_ =	shalt  }
0x42: {  	_ =	shalt  }
0x43: {  	_ =	shalt  }
0x44: {  	_ =	shalt  }
0x45: {  	_ =	shalt  }
0x46: {  	_ =	shalt  }
0x47: {  	_ =	shalt  }
0x48: {  	_ =	shalt  }
0x49: {  	_ =	shalt  }
0x4a: {  	_ =	shalt  }
0x4b: {  	_ =	shalt  }
0x4c: {  	_ =	shalt  }
0x4d: {  	_ =	shalt  }
0x4e: {  	_ =	shalt  }
0x4f: {  	_ =	shalt  }
0x50: {  	_ =	shalt  }
0x51: {  	_ =	shalt  }
0x52: {  	_ =	shalt  }
0x53: {  	_ =	shalt  }
0x54: {  	_ =	shalt  }
0x55: {  	_ =	shalt  }
0x56: {  	_ =	shalt  }
0x57: {  	_ =	shalt  }
0x58: {  	_ =	shalt  }
0x59: {  	_ =	shalt  }
0x5a: {  	_ =	shalt  }
0x5b: {  	_ =	shalt  }
0x5c: {  	_ =	shalt  }
0x5d: {  	_ =	shalt  }
0x5e: {  	_ =	shalt  }
0x5f: {  	_ =	shalt  }
0x60: {  	_ =	shalt  }
0x61: {  	_ =	shalt  }
0x62: {  	_ =	shalt  }
0x63: {  	_ =	shalt  }
0x64: {  	_ =	shalt  }
0x65: {  	_ =	shalt  }
0x66: {  	_ =	shalt  }
0x67: {  	_ =	shalt  }
0x68: {  	_ =	shalt  }
0x69: {  	_ =	shalt  }
0x6a: {  	_ =	shalt  }
0x6b: {  	_ =	shalt  }
0x6c: {  	_ =	shalt  }
0x6d: {  	_ =	shalt  }
0x6e: {  	_ =	shalt  }
0x6f: {  	_ =	shalt  }
0x70: {  	_ =	shalt  }
0x71: {  	_ =	shalt  }
0x72: {  	_ =	shalt  }
0x73: {  	_ =	shalt  }
0x74: {  	_ =	shalt  }
0x75: {  	_ =	shalt  }
0x76: {  	_ =	shalt  }
0x77: {  	_ =	shalt  }
0x78: {  	_ =	shalt  }
0x79: {  	_ =	shalt  }
0x7a: {  	_ =	shalt  }
0x7b: {  	_ =	shalt  }
0x7c: {  	_ =	shalt  }
0x7d: {  	_ =	shalt  }
0x7e: {  	_ =	shalt  }
0x7f: {  	_ =	shalt  }
0x80: {  	_ =	shalt  }
0x81: {  	_ =	shalt  }
0x82: {  	_ =	shalt  }
0x83: {  	_ =	shalt  }
0x84: {  	_ =	shalt  }
0x85: {  	_ =	shalt  }
0x86: {  	_ =	shalt  }
0x87: {  	_ =	shalt  }
.Lfunc_end0:
.L_simem_size_0:
called_computation.2_lowered:
.L_overlay_start_0:
0x88: {  	s2 =	sld [smem:$0x3FD9]  }
0x89: {  	s3 =	sld [smem:$0x3FFE];
	_ =	sdelay $0x1  }
0x8a: {  	s1 =	srdreg.scid  }
0x8b: {  	s0 =	sand.u32 $0x1, s1  }
0x8c: {  	s16 =	sshll.u32 s0, $0xA;
	s2 =	sadd.s32 s3, s2  }
0x8d: {  	s2 =	sadd.s32 s2, s16  }
0x8e: {  	[smem:$0x3FBE] =	sst s2  }
0x8f: {  	_ = 	snop  }
0x90: {  	(tm) =	ssettm $0x1  }
0x91: {  	s17 =	sld [smem:$0x3FFB];
	_ =	sdelay $0x3  }
0x92: {  	_ =	strace s17  }
0x93: {  	s2 =	sld [smem:$0x3FFC];
	_ =	sdelay $0x3  }
0x94: {  	_ =	strace s2  }
0x95: {  	s2 =	sld [smem:$0x3FFD];
	_ =	sdelay $0x3  }
0x96: {  	_ =	strace s2  }
0x97: {  	_ =	strace $0x8FFFFFFF  }
0x98: {  	s18 =	sld [smem:$0x3FDB];
	_ =	sdelay $0x1  }
0x99: {  	s19 =	simm.s32 $_scs_section_size  }
0x9a: {  	s4 =	simm.s32 $_size__tile_overlayer_lowered;
	s5 =	simm.s32 $_tile_overlayer_lowered  }
0x9b: {  	s22 =	simm.s32 $0x1BFF;
	s21 =	sshll.u32 s5, $0x1;
	s2 =	sadd.s32 s19, s18  }
0x9c: {  	s6 =	simm.s32 $0x0;
	s20 =	sshll.u32 s4, $0x1;
	s4 =	sadd.s32 s21, s2  }
0x9d: {  	[timem:s6], [sflag:s22] =	dma.local [hbm:s4], s20  }
0x9e: {  	_ =	swait.ge [sflag:s22], s20  }
0x9f: {  	s3 =	ssub.s32 $0x0, s20;
	[sflag:s22] =	ssyncset.done $0x0  }
0xa0: {  	[sflag:s22] =	ssyncadd.s32 s3;
	_ =	sdelay $0x1  }
0xa1: {  	s23 =	simm.s32 $0x1B8B  }
0xa2: {  	_ =	swait.ge [sflag:s23], $0x1  }
0xa3: {  	[sflag:s23] =	ssyncset.done $0x0  }
0xa4: {  	s25 =	simm.s32 $0x1B8E;
	s24 =	sld [smem:$0x3FFE];
	[sflag:s23] =	ssyncadd.s32 $0xFFFFFFFF  }
0xa5: {  	s26 =	simm.s32 $execute0_lowered;
	[smem:$0x3FD2] =	sst s25  }
0xa6: {  	s4 =	sshll.u32 s26, $0x1;
	_ =	strace $0x8000004C;
	[dreg:$0x1] =	wrdreg $0xFFFFFFFF  }
0xa7: {  	s28 =	simm.s32 $_size_execute0_lowered;
	s2 =	sadd.s32 s2, s4;
	[dreg:$0x0] =	wrdreg $0x0  }
0xa8: {  	s4 =	sshll.u32 s28, $0x1;
	[dreg:$0x2] =	wrdreg s2  }
0xa9: {  	[dreg:$0x3] =	wrdreg s4  }
0xaa: {  	[dreg:$0x4] =	wrdreg $0xC0  }
0xab: {  	_ =	task [dreg:s6], $0x5FFFF  }
0xac: {  	[dreg:$0x1] =	wrdreg $0xFFFFFFFF  }
0xad: {  	[dreg:$0x0] =	wrdreg $0x60  }
0xae: {  	[dreg:$0x2] =	wrdreg s24  }
0xaf: {  	[dreg:$0x3] =	wrdreg $0x90000  }
0xb0: {  	[dreg:$0x4] =	wrdreg $0x130000  }
0xb1: {  	[dreg:$0x5] =	wrdreg $0x9  }
0xb2: {  	_ =	task.clear_ibuf [dreg:s6], $0x6FFFF;
	_ =	strace $0x9000004C  }
0xb3: {  	s29 =	simm.s32 $0x9;
	_ =	strace $0x8000004E  }
0xb4: {  	_ =	swait.ge [sflag:s29], $0x1  }
0xb5: {  	[sflag:s29] =	ssyncadd.s32 $0xFFFFFFFF  }
0xb6: {  	_ =	strace $0x9000004E  }
0xb7: {  	_ =	sfence  }
0xb8: {  	s30 =	sld [smem:$0x0];
	_ =	sdelay $0x2  }
0xb9: {  	s31 =	sshll.u32 s1, $0xD;
	s1 =	sshrl.u32 s1, $0x2  }
0xba: {  	s3 =	sand.u32 $0x4000, s31;
	s1 =	sadd.s32 s1, s30  }
0xbb: {  	s0 =	sor.u32 s3, s0;
	s1 =	sshll.u32 s1, $0x11  }
0xbc: {  	s0 =	sor.u32 s1, s0  }
0xbd: {  	s0 =	sadd.s32 $0x8F2B, s0  }
0xbe: {  	[sflag:s0] =	ssyncadd.remote.s32 $0x1  }
0xbf: {  	_ =	sfence.sel $0xFFFF  }
0xc0: {  	[dreg:$0x0] =	wrdreg $0xFFFFFFFF;
	(pc) =	sbr.abs _section_cstart, $3  }
0xc1: {  	[dreg:$0x1] =	wrdreg $0xFFFFFFFF  }
0xc2: {  	_ =	task.clear_ibuf [dreg:s6], $0x2FFFF;
	_ =	strace $0x9FFFFFFF  }
0xc3: {  	(tm) =	ssettm $0x7FFFFFFF  }
tec
execute0_lowered:
.L_overlay_start_1:
0x0: {  	(tag) =	ssettag $0x1  }
0x1: {  	s6 =	rddreg [dreg:$0x0]  }
0x2: {  	s2 =	rddreg [dreg:$0x1]  }
0x3: {  	s0 =	srdreg.scid;
	s3 =	rddreg [dreg:$0x2];
	s4 =	simm.s32 $0x0  }
0x4: {  	s16 =	simm.s32 $0x80;
	s17 =	simm.s32 $0x5000;
	s18 =	simm.s32 $0x7000  }
0x5: {  	s19 =	simm.s32 $0x1;
	s20 =	simm.s32 $0x2;
	s21 =	simm.s32 $0x2780  }
0x6: {  	s22 =	simm.s32 $0x4F00;
	s5 =	sand.u32 $0x1, s0;
	s0 =	stileid.u32  }
0x7: {  	s23 =	simm.s32 $0x4F80;
	s24 =	simm.s32 $0x0;
	s8 =	smul.u32 $0x9C40, s0  }
0x8: {  	[smem:$0x7FF] =	sst s4;
	s1 =	sshll.u32 s5, $0x4;
	s9 =	smul.u32 $0xA000, s0  }
0x9: {  	s10 =	smul.u32 $0xA0000, s5;
	s5 =	ssub.s32 $0x2, s5;
	s1 =	sor.u32 s0, s1  }
0xa: {  	s31 =	sshll.u32 s0, $0x6;
	s30 =	sshrl.u32 s5, $0x1;
	s7 =	smul.u32 $0x500, s1  }
0xb: {  	s1 =	rddreg [dreg:$0x3];
	_ =	strace $0x8000004D;
	s11 =	sshrl.u32 s8, $0x3  }
0xc: {  	s10 =	sadd.s32 s9, s10;
	s29 =	sshrl.u32 s9, $0x3;
	s13 =	ssub.s32 s5, s30  }
0xd: {  	s14 =	sadd.s32 s9, s2;
	s15 =	sadd.s32 s8, s3;
	s28 =	sadd.s32 s11, s6  }
0xe: {  	s10 =	sshrl.u32 s10, $0x3;
	s11 =	sadd.s32 s29, s6;
	s12 =	sadd.s32 s7, s6  }
0xf: {  	s10 =	sadd.s32 s10, s6;
	s5 =	sadd.s32 $0x2A800, s11;
	s6 =	sor.u32 $0x1C03, s31  }
0x10: {  	s7 =	sadd.s32 $0x16E00, s28;
	s11 =	smax.u32 s13, $0x1;
	s13 =	simm.s32 $0x3  }
0x11: {  	s8 =	sadd.s32 $0xCE00, s12;
	s9 =	sadd.s32 $0x2C00, s12;
	s10 =	sadd.s32 $0x3E800, s10  }
0x12: {  	s12 =	sshrl.u32 s14, $0x3;
	s14 =	sshrl.u32 s15, $0x3;
	s15 =	simm.s32 $0x2800  }
.LBB2_1:
0x13: {  	[spmem:s12], [sflag:s6] =	dma.local [hbm:s5], $0x1400  }
0x14: {  	_ =	swait.ge [sflag:s13], $0x1400  }
0x15: {  	[sflag:s13] =	ssyncset.done $0x0  }
0x16: {  	[sflag:s13] =	ssyncadd.s32 $0xFFFFEC00  }
0x17: {  	[spmem:s14], [sflag:s6] =	dma.local [hbm:s7], $0x1388  }
0x18: {  	_ =	swait.ge [sflag:s13], $0x1388  }
0x19: {  	[sflag:s13] =	ssyncset.done $0x0  }
0x1a: {  	[sflag:s13] =	ssyncadd.s32 $0xFFFFEC78  }
0x1b: {  	[tilespmem:s4], [sflag:$0x3] =	stream.linear.gather [hbm4b:s8+s4], $0x2800, $0x38;
	[tilespmem:$0x1CC40] =	vst v63  }
0x1c: {  	_ =	swait.ge [sflag:s13], $0x2800  }
0x1d: {  	[sflag:s13] =	ssyncset.done $0x0  }
0x1e: {  	[sflag:s13] =	ssyncadd.s32 $0xFFFFD800  }
0x1f: {  	[tilespmem:s15], [sflag:$0x3] =	stream.linear.gather [hbm4b:s9+s4], $0x2800, $0x38;
	[tilespmem:$0x1CC40] =	vst v63  }
0x20: {  	_ =	swait.ge [sflag:s13], $0x2800  }
0x21: {  	[sflag:s13] =	ssyncset.done $0x0  }
0x22: {  	[sflag:s13] =	ssyncadd.s32 $0xFFFFD800  }
0x23: {  	[bflag:$0x0] =	sbarrier.arrive $0xFFFF  }
0x24: {  	[tilespmem:s17], [sflag:$0x1] =	stream.indirect.gather [spmem:s3], $0x40, s4, s16, $0xb8;
	[tilespmem:$0x1CC40] =	vst v63  }
0x25: {  	s25 =	simm.s32 $0x80  }
0x26: {  	[tilespmem:s18], [sflag:$0x2] =	stream.indirect.gather [spmem:s3], $0x40, s25, s16, $0xb8;
	[tilespmem:$0x1CC40] =	vst v63  }
0x27: {  	_ =	swait.ge [sflag:s19], $0x2000  }
0x28: {  	[sflag:s19] =	ssyncset.done $0x0  }
0x29: {  	s29 =	simm.s32 $0x2800;
	[sflag:s19] =	ssyncadd.s32 $0xFFFFE000  }
0x2a: {  	[spmem:s2] =	stream.indirect.scatter.add.f32 [tilespmem:s17], [sflag:$0x3], $0x40, s29, s16, $0xb8;
	[tilespmem:$0x1CC40] =	vst v63  }
0x2b: {  	_ =	swait.ge [sflag:s13], $0x2000  }
0x2c: {  	[sflag:s13] =	ssyncset.done $0x0  }
0x2d: {  	s30 =	simm.s32 $0x100;
	[sflag:s13] =	ssyncadd.s32 $0xFFFFE000  }
0x2e: {  	[tilespmem:s17], [sflag:$0x1] =	stream.indirect.gather [spmem:s3], $0x40, s30, s16, $0xb8;
	[tilespmem:$0x1CC40] =	vst v63  }
0x2f: {  	_ =	swait.ge [sflag:s20], $0x2000  }
0x30: {  	[sflag:s20] =	ssyncset.done $0x0  }
0x31: {  	s31 =	simm.s32 $0x2880;
	[sflag:s20] =	ssyncadd.s32 $0xFFFFE000  }
0x32: {  	[spmem:s2] =	stream.indirect.scatter.add.f32 [tilespmem:s18], [sflag:$0x3], $0x40, s31, s16, $0xb8;
	[tilespmem:$0x1CC40] =	vst v63  }
0x33: {  	_ =	swait.ge [sflag:s13], $0x2000  }
0x34: {  	s26 =	simm.s32 $0x800;
	s25 =	simm.s32 $0x100;
	[sflag:s13] =	ssyncset.done $0x0  }
.LBB2_2:
0x35: {  	s28 =	sadd.s32 $0x80, s25  }
0x36: {  	[sflag:s13] =	ssyncadd.s32 $0xFFFFE000;
	s29 =	smov.u32 s26;
	s30 =	sadd.s32 $0x400, s26  }
0x37: {  	[tilespmem:s18], [sflag:$0x2] =	stream.indirect.gather [spmem:s3], $0x40, s28, s16, $0xb8;
	[tilespmem:$0x1CC40] =	vst v63  }
0x38: {  	p0 =	sne.s32 s26, $0x9800;
	_ =	swait.ge [sflag:s19], $0x2000  }
0x39: {  	[sflag:s19] =	ssyncset.done $0x0  }
0x3a: {  	s26 =	sadd.s32 $0x2800, s25;
	[sflag:s19] =	ssyncadd.s32 $0xFFFFE000  }
0x3b: {  	[spmem:s2] =	stream.indirect.scatter.add.f32 [tilespmem:s17], [sflag:$0x3], $0x40, s26, s16, $0xb8;
	[tilespmem:$0x1CC40] =	vst v63  }
0x3c: {  	_ =	swait.ge [sflag:s13], $0x2000  }
0x3d: {  	[sflag:s13] =	ssyncset.done $0x0  }
0x3e: {  	s26 =	sadd.s32 $0x100, s25;
	[sflag:s13] =	ssyncadd.s32 $0xFFFFE000  }
0x3f: {  	[tilespmem:s17], [sflag:$0x1] =	stream.indirect.gather [spmem:s3], $0x40, s26, s16, $0xb8;
	[tilespmem:$0x1CC40] =	vst v63  }
0x40: {  	_ =	swait.ge [sflag:s20], $0x2000  }
.Ltmp0:
0x41: {  	[sflag:s20] =	ssyncset.done $0x0;
	(pc) =	sbr.rel @p0 .LBB2_2-.Ltmp0, $4  }
0x42: {  	s25 =	sadd.s32 $0x2880, s25;
	[sflag:s20] =	ssyncadd.s32 $0xFFFFE000  }
0x43: {  	[spmem:s2] =	stream.indirect.scatter.add.f32 [tilespmem:s18], [sflag:$0x3], $0x40, s25, s16, $0xb8;
	[tilespmem:$0x1CC40] =	vst v63  }
0x44: {  	_ =	swait.ge [sflag:s13], $0x2000  }
0x45: {  	s26 =	smov.u32 s30;
	s25 =	sshra.s32 s29, $0x2;
	[sflag:s13] =	ssyncset.done $0x0  }
0x46: {  	s26 =	sadd.s32 $0x80, s25;
	[sflag:s13] =	ssyncadd.s32 $0xFFFFE000  }
0x47: {  	[tilespmem:s18], [sflag:$0x2] =	stream.indirect.gather [spmem:s3], $0x40, s26, s16, $0xb8;
	[tilespmem:$0x1CC40] =	vst v63  }
0x48: {  	_ =	swait.ge [sflag:s19], $0x2000  }
0x49: {  	[sflag:s19] =	ssyncset.done $0x0  }
0x4a: {  	s29 =	sadd.s32 $0x2800, s25;
	[sflag:s19] =	ssyncadd.s32 $0xFFFFE000  }
0x4b: {  	[spmem:s2] =	stream.indirect.scatter.add.f32 [tilespmem:s17], [sflag:$0x3], $0x40, s29, s16, $0xb8;
	[tilespmem:$0x1CC40] =	vst v63  }
0x4c: {  	_ =	swait.ge [sflag:s13], $0x2000  }
0x4d: {  	[sflag:s13] =	ssyncset.done $0x0  }
0x4e: {  	s30 =	sadd.s32 $0x100, s25;
	[sflag:s13] =	ssyncadd.s32 $0xFFFFE000  }
0x4f: {  	[tilespmem:s17], [sflag:$0x1] =	stream.indirect.gather [spmem:s3], $0x40, s30, s16, $0xb8;
	[tilespmem:$0x1CC40] =	vst v63  }
0x50: {  	_ =	swait.ge [sflag:s20], $0x2000  }
0x51: {  	[sflag:s20] =	ssyncset.done $0x0  }
0x52: {  	s31 =	sadd.s32 $0x2880, s25;
	[sflag:s20] =	ssyncadd.s32 $0xFFFFE000  }
0x53: {  	[spmem:s2] =	stream.indirect.scatter.add.f32 [tilespmem:s18], [sflag:$0x3], $0x40, s31, s16, $0xb8;
	[tilespmem:$0x1CC40] =	vst v63  }
0x54: {  	_ =	swait.ge [sflag:s13], $0x2000  }
0x55: {  	[sflag:s13] =	ssyncset.done $0x0  }
0x56: {  	[sflag:s13] =	ssyncadd.s32 $0xFFFFE000  }
0x57: {  	[tilespmem:s18], [sflag:$0x2] =	stream.indirect.gather [spmem:s3], $0x40, s21, s16, $0xb8;
	[tilespmem:$0x1CC40] =	vst v63  }
0x58: {  	_ =	swait.ge [sflag:s19], $0x2000  }
0x59: {  	[sflag:s19] =	ssyncset.done $0x0  }
0x5a: {  	[sflag:s19] =	ssyncadd.s32 $0xFFFFE000  }
0x5b: {  	[spmem:s2] =	stream.indirect.scatter.add.f32 [tilespmem:s17], [sflag:$0x3], $0x40, s22, s16, $0xb8;
	[tilespmem:$0x1CC40] =	vst v63  }
0x5c: {  	_ =	swait.ge [sflag:s13], $0x2000  }
0x5d: {  	[sflag:s13] =	ssyncset.done $0x0  }
0x5e: {  	[sflag:s13] =	ssyncadd.s32 $0xFFFFE000  }
0x5f: {  	_ =	swait.ge [sflag:s20], $0x2000  }
0x60: {  	[sflag:s20] =	ssyncset.done $0x0  }
0x61: {  	[sflag:s20] =	ssyncadd.s32 $0xFFFFE000  }
0x62: {  	[spmem:s2] =	stream.indirect.scatter.add.f32 [tilespmem:s18], [sflag:$0x3], $0x40, s23, s16, $0xb8;
	[tilespmem:$0x1CC40] =	vst v63  }
0x63: {  	_ =	swait.ge [sflag:s13], $0x2000  }
0x64: {  	s24 =	sadd.s32 $0x1, s24;
	[sflag:s13] =	ssyncset.done $0x0  }
0x65: {  	p0 =	sne.s32 s24, s11;
	[sflag:s13] =	ssyncadd.s32 $0xFFFFE000  }
.Ltmp1:
0x66: {  	[bflag:$0x0] =	sbarrier.arrive $0xFFFF;
	(pc) =	sbr.rel @p0 .LBB2_1-.Ltmp1, $4  }
0x67: {  	[hbm:s10], [sflag:s6] =	dma.local [spmem:s12], $0x1400  }
0x68: {  	_ =	swait.ge [sflag:s13], $0x1400  }
0x69: {  	[sflag:s13] =	ssyncset.done $0x0  }
0x6a: {  	[sflag:s13] =	ssyncadd.s32 $0xFFFFEC00  }
0x6b: {  	_ =	sfence.sel $0x180000  }
0x6c: {  	[bflag:$0x0] =	sbarrier.arrive $0xFFFF  }
0x6d: {  	p0 =	sne.s32 s0, $0x0;
	_ =	strace $0x9000004D  }
0x6e: {  	s0 =	sadd.s32 @!p0 $0x100000, s1;
	[bflag:$0x2] =	sbarrier.arrive $0xFFFF  }
0x6f: {  	[sflag:s0] =	ssyncadd.tile.s32 @!p0 $0x1;
	_ =	shalt  }
.Lfunc_end2:
_tile_overlayer_lowered:
.L_overlay_start_2:
0x70: {  	(tag) =	ssettag $0x2  }
0x71: {  	s0 =	rddreg [dreg:$0x0];
	s2 =	stileid.u32  }
0x72: {  	s1 =	rddreg [dreg:$0x1];
	p0 =	sne.s32 s2, $0x0  }
0x73: {  	s3 =	rddreg [dreg:$0x2];
	[bflag:$0x3] =	sbarrier.arrive $0xFFFF;
	s2 =	simm.s32 @!p0 $0x1C03  }
0x74: {  	[timem:s3], [sflag:s2] =	dma.local @!p0 [hbm:s0], s1  }
0x75: {  	s0 =	simm.s32 @!p0 $0x3  }
0x76: {  	_ =	swait.ge @!p0 [sflag:s0], s1  }
0x77: {  	s1 =	ssub.s32 @!p0 $0x0, s1;
	[sflag:s0] =	ssyncset.done @!p0 $0x0  }
0x78: {  	[sflag:s0] =	ssyncadd.s32 @!p0 s1  }
0x79: {  	[bflag:$0x3] =	sbarrier.arrive $0xFFFF  }
0x7a: {  	_ =	shalt  }

// kernel: kernel.19.cloned.1.call-start
scs
__scs_entry_jumppad:
0x0: {  	(pc) =	sbr.rel $0x88, $3  }
0x1: {  	(tag) =	ssettag $0x0;
	lr =	simm.s32 $0x1  }
0x2: {  	[smem:$0x3F97] =	sst lr;
	_ =	strace $0xD0000000  }
0x3: {  	_ = 	snop  }
0x4: {  	_ = 	snop  }
0x5: {  	_ = 	snop  }
0x6: {  	_ = 	snop  }
0x7: {  	_ = 	snop  }
__scs_overlays_trampoline_lowered:
0x8: {  	[smem:$0x3FA6] =	sst s0  }
0x9: {  	[smem:$0x3FA7] =	sst s1  }
0xa: {  	[smem:$0x3FA8] =	sst s2  }
0xb: {  	[smem:$0x3FA9] =	sst s3  }
0xc: {  	[smem:$0x3FAA] =	sst s4  }
0xd: {  	[smem:$0x3FAB] =	sst s5  }
0xe: {  	[smem:$0x3FAC] =	sst s6  }
0xf: {  	[smem:$0x3FAD] =	sst s7  }
0x10: {  	[smem:$0x3FAE] =	sst s8  }
0x11: {  	[smem:$0x3FAF] =	sst s9;
	s0 =	simm.s32 @!p0 $0x0  }
0x12: {  	s1 =	sld [smem:$0x3F95];
	s0 =	simm.s32 @p0 $0x1  }
0x13: {  	[smem:$0x3FB0] =	sst s0;
	s0 =	simm.s32 @!p1 $0x0  }
0x14: {  	s2 =	sld [smem:$0x3F94];
	s0 =	simm.s32 @p1 $0x1  }
0x15: {  	[smem:$0x3FB1] =	sst s0;
	s0 =	simm.s32 @!p2 $0x0  }
0x16: {  	s3 =	sld [smem:$0x3FDB];
	s0 =	simm.s32 @p2 $0x1  }
0x17: {  	s4 =	simm.s32 $0x1BF5;
	[smem:$0x3FB3] =	sst s0  }
0x18: {  	s0 =	sld [smem:$0x3F96];
	_ =	swait.ge [sflag:s4], $0x0  }
0x19: {  	s7 =	sld [smem:$0x3F97]  }
0x1a: {  	s8 =	sadd.s32 $0xFFFFE003, lr  }
0x1b: {  	s9 =	sadd.s32 $0xFFFFFEF7, lr;
	s5 =	simm.s32 $0xFFFFFFFF;
	p2 =	slt.u32 s8, $0xFFFFF086  }
0x1c: {  	p1 =	slt.u32 s9, $0xF7A;
	s5 =	simm.s32 @!p2 $0x0  }
0x1d: {  	s5 =	simm.s32 @p1 $0x1;
	p0 =	seq.s32 s7, s2  }
0x1e: {  	s7 =	smul.u32 @!p0 $0xF7A, s2;
	p2 =	seq.s32 @!p0 s5, $0x0  }
0x1f: {  	s9 =	smul.u32 $0xF7A, s1;
	s8 =	simm.s32 @!p0 $0x1BF5;
	p2 =	por !p2, p0  }
0x20: {  	[sflag:s8] =	ssyncset.s32 @!p0 $0xFFFFF086;
	s6 =	sadd.s32 @!p0 s3, s7;
	s7 =	simm.s32 @!p0 $0x108  }
0x21: {  	s3 =	sadd.s32 s3, s9;
	s6 =	sadd.s32 @!p0 $0x88, s6;
	s7 =	simm.s32 @p2 $0x1082  }
0x22: {  	[simem:s7], [sflag:s8] =	dma.local @!p0 [hbm:s6], $0xF7A  }
0x23: {  	s9 =	sor.u32 $0xD0000000, s2;
	s6 =	simm.s32 $0x108;
	_ =	swait.ge @!p0 [sflag:s8], $0x0  }
0x24: {  	s3 =	sadd.s32 $0x88, s3;
	s6 =	simm.s32 @!p1 $0x1082;
	[sflag:s4] =	ssyncset.s32 $0xFFFFF086  }
0x25: {  	[simem:s6], [sflag:s4] =	dma.local [hbm:s3], $0xF7A  }
0x26: {  	[smem:$0x3F97] =	sst s1;
	(tag) =	ssettag s2;
	_ =	strace s9  }
0x27: {  	s1 =	sld [smem:$0x3FA7]  }
0x28: {  	s2 =	sld [smem:$0x3FA8]  }
0x29: {  	s4 =	sld [smem:$0x3FAA]  }
0x2a: {  	p0 =	seq.s32 s5, $0x0;
	s5 =	sld [smem:$0x3FAB]  }
0x2b: {  	s6 =	sld [smem:$0x3FAC]  }
0x2c: {  	s7 =	sld [smem:$0x3FAD]  }
0x2d: {  	s3 =	simm.s32 $0x108;
	s8 =	sld [smem:$0x3FAE]  }
0x2e: {  	s3 =	simm.s32 @!p0 $0x1082;
	s9 =	sld [smem:$0x3FAF]  }
0x2f: {  	lr =	sadd.s32 s0, s3;
	s0 =	sld [smem:$0x3FA6]  }
0x30: {  	s3 =	sld [smem:$0x3FA9]  }
0x31: {  	[smem:$0x3FB2] =	sst s10  }
0x32: {  	s10 =	sld [smem:$0x3FB0];
	_ =	sdelay $0x3  }
0x33: {  	p0 =	seq.s32 s10, $0x1;
	s10 =	sld [smem:$0x3FB2];
	_ =	sdelay $0x3  }
0x34: {  	[smem:$0x3FB2] =	sst s10  }
0x35: {  	s10 =	sld [smem:$0x3FB1];
	_ =	sdelay $0x3  }
0x36: {  	p1 =	seq.s32 s10, $0x1;
	s10 =	sld [smem:$0x3FB2];
	_ =	sdelay $0x3  }
0x37: {  	[smem:$0x3FB2] =	sst s10  }
0x38: {  	s10 =	sld [smem:$0x3FB3]  }
0x39: {  	_ = 	snop;
	(pc) =	sbr.ind lr, $3  }
0x3a: {  	_ = 	snop  }
0x3b: {  	_ = 	snop  }
0x3c: {  	p2 =	seq.s32 s10, $0x1;
	s10 =	sld [smem:$0x3FB2]  }
0x3d: {  	_ =	shalt  }
0x3e: {  	_ =	shalt  }
0x3f: {  	_ =	shalt  }
0x40: {  	_ =	shalt  }
0x41: {  	_ =	shalt  }
0x42: {  	_ =	shalt  }
0x43: {  	_ =	shalt  }
0x44: {  	_ =	shalt  }
0x45: {  	_ =	shalt  }
0x46: {  	_ =	shalt  }
0x47: {  	_ =	shalt  }
0x48: {  	_ =	shalt  }
0x49: {  	_ =	shalt  }
0x4a: {  	_ =	shalt  }
0x4b: {  	_ =	shalt  }
0x4c: {  	_ =	shalt  }
0x4d: {  	_ =	shalt  }
0x4e: {  	_ =	shalt  }
0x4f: {  	_ =	shalt  }
0x50: {  	_ =	shalt  }
0x51: {  	_ =	shalt  }
0x52: {  	_ =	shalt  }
0x53: {  	_ =	shalt  }
0x54: {  	_ =	shalt  }
0x55: {  	_ =	shalt  }
0x56: {  	_ =	shalt  }
0x57: {  	_ =	shalt  }
0x58: {  	_ =	shalt  }
0x59: {  	_ =	shalt  }
0x5a: {  	_ =	shalt  }
0x5b: {  	_ =	shalt  }
0x5c: {  	_ =	shalt  }
0x5d: {  	_ =	shalt  }
0x5e: {  	_ =	shalt  }
0x5f: {  	_ =	shalt  }
0x60: {  	_ =	shalt  }
0x61: {  	_ =	shalt  }
0x62: {  	_ =	shalt  }
0x63: {  	_ =	shalt  }
0x64: {  	_ =	shalt  }
0x65: {  	_ =	shalt  }
0x66: {  	_ =	shalt  }
0x67: {  	_ =	shalt  }
0x68: {  	_ =	shalt  }
0x69: {  	_ =	shalt  }
0x6a: {  	_ =	shalt  }
0x6b: {  	_ =	shalt  }
0x6c: {  	_ =	shalt  }
0x6d: {  	_ =	shalt  }
0x6e: {  	_ =	shalt  }
0x6f: {  	_ =	shalt  }
0x70: {  	_ =	shalt  }
0x71: {  	_ =	shalt  }
0x72: {  	_ =	shalt  }
0x73: {  	_ =	shalt  }
0x74: {  	_ =	shalt  }
0x75: {  	_ =	shalt  }
0x76: {  	_ =	shalt  }
0x77: {  	_ =	shalt  }
0x78: {  	_ =	shalt  }
0x79: {  	_ =	shalt  }
0x7a: {  	_ =	shalt  }
0x7b: {  	_ =	shalt  }
0x7c: {  	_ =	shalt  }
0x7d: {  	_ =	shalt  }
0x7e: {  	_ =	shalt  }
0x7f: {  	_ =	shalt  }
0x80: {  	_ =	shalt  }
0x81: {  	_ =	shalt  }
0x82: {  	_ =	shalt  }
0x83: {  	_ =	shalt  }
0x84: {  	_ =	shalt  }
0x85: {  	_ =	shalt  }
0x86: {  	_ =	shalt  }
0x87: {  	_ =	shalt  }
.Lfunc_end0:
.L_simem_size_0:
called_computation.3_lowered:
.L_overlay_start_0:
0x88: {  	s2 =	sld [smem:$0x3FD9]  }
0x89: {  	s3 =	sld [smem:$0x3FFE];
	_ =	sdelay $0x1  }
0x8a: {  	s1 =	srdreg.scid  }
0x8b: {  	s0 =	sand.u32 $0x1, s1  }
0x8c: {  	s14 =	sshll.u32 s0, $0xA;
	s2 =	sadd.s32 s3, s2  }
0x8d: {  	s2 =	sadd.s32 s2, s14  }
0x8e: {  	[smem:$0x3FBE] =	sst s2  }
0x8f: {  	_ = 	snop  }
0x90: {  	s2 =	sld [smem:$0x3FD0];
	_ =	sdelay $0x2  }
0x91: {  	s15 =	simm.s32 $0xA;
	s4 =	simm.s32 $0x10  }
0x92: {  	[smem:s4], [sflag:s15] =	dma.local [hbm:s2], $0x1  }
0x93: {  	_ =	swait.eq [sflag:s15], $0x1  }
0x94: {  	[sflag:s15] =	ssyncset.done $0x0  }
0x95: {  	[sflag:s15] =	ssyncadd.s32 $0xFFFFFFFF  }
0x96: {  	s16 =	sld [smem:$0x10];
	(tm) =	ssettm $0x1  }
0x97: {  	s17 =	sld [smem:$0x3FFB];
	_ =	sdelay $0x3  }
0x98: {  	_ =	strace s17  }
0x99: {  	s3 =	sld [smem:$0x3FFC];
	_ =	sdelay $0x3  }
0x9a: {  	_ =	strace s3  }
0x9b: {  	s3 =	sld [smem:$0x3FFD];
	_ =	sdelay $0x3  }
0x9c: {  	_ =	strace s3  }
0x9d: {  	_ =	strace $0x8FFFFFFF  }
0x9e: {  	s18 =	sld [smem:$0x3FDB];
	_ =	sdelay $0x1  }
0x9f: {  	s19 =	simm.s32 $_scs_section_size  }
0xa0: {  	s5 =	simm.s32 $_size__tile_overlayer_lowered;
	s6 =	simm.s32 $_tile_overlayer_lowered  }
0xa1: {  	s22 =	simm.s32 $0x1BFF;
	s21 =	sshll.u32 s6, $0x1;
	s3 =	sadd.s32 s19, s18  }
0xa2: {  	s7 =	simm.s32 $0x0;
	s20 =	sshll.u32 s5, $0x1;
	s5 =	sadd.s32 s21, s3  }
0xa3: {  	[timem:s7], [sflag:s22] =	dma.local [hbm:s5], s20  }
0xa4: {  	_ =	swait.ge [sflag:s22], s20  }
0xa5: {  	s4 =	ssub.s32 $0x0, s20;
	[sflag:s22] =	ssyncset.done $0x0  }
0xa6: {  	[sflag:s22] =	ssyncadd.s32 s4;
	_ =	sdelay $0x1  }
0xa7: {  	s23 =	simm.s32 $0x1B8B  }
0xa8: {  	_ =	swait.ge [sflag:s23], $0x1  }
0xa9: {  	[sflag:s23] =	ssyncset.done $0x0  }
0xaa: {  	s25 =	simm.s32 $0x1B8E;
	s24 =	sld [smem:$0x3FFE];
	[sflag:s23] =	ssyncadd.s32 $0xFFFFFFFF  }
0xab: {  	s26 =	simm.s32 $execute0_lowered;
	[smem:$0x3FD2] =	sst s25  }
0xac: {  	s5 =	sshll.u32 s26, $0x1;
	_ =	strace $0x8000004F;
	[dreg:$0x1] =	wrdreg $0xFFFFFFFF  }
0xad: {  	s28 =	simm.s32 $_size_execute0_lowered;
	s3 =	sadd.s32 s3, s5;
	[dreg:$0x0] =	wrdreg $0x0  }
0xae: {  	s5 =	sshll.u32 s28, $0x1;
	[dreg:$0x2] =	wrdreg s3  }
0xaf: {  	[dreg:$0x3] =	wrdreg s5  }
0xb0: {  	[dreg:$0x4] =	wrdreg $0xC0  }
0xb1: {  	_ =	task [dreg:s7], $0x5FFFF  }
0xb2: {  	[dreg:$0x1] =	wrdreg $0xFFFFFFFF  }
0xb3: {  	[dreg:$0x0] =	wrdreg $0x60  }
0xb4: {  	[dreg:$0x2] =	wrdreg s24  }
0xb5: {  	[dreg:$0x3] =	wrdreg s16  }
0xb6: {  	[dreg:$0x4] =	wrdreg $0x70000  }
0xb7: {  	[dreg:$0x5] =	wrdreg $0xC0000  }
0xb8: {  	[dreg:$0x6] =	wrdreg $0x9  }
0xb9: {  	_ =	task.clear_ibuf [dreg:s7], $0x7FFFF;
	_ =	strace $0x9000004F  }
0xba: {  	s29 =	simm.s32 $0x9;
	_ =	strace $0x80000051  }
0xbb: {  	_ =	swait.ge [sflag:s29], $0x1  }
0xbc: {  	[sflag:s29] =	ssyncadd.s32 $0xFFFFFFFF  }
0xbd: {  	_ =	strace $0x90000051  }
0xbe: {  	_ =	sfence  }
0xbf: {  	s30 =	sld [smem:$0x0];
	_ =	sdelay $0x2  }
0xc0: {  	s31 =	sshll.u32 s1, $0xD;
	s1 =	sshrl.u32 s1, $0x2  }
0xc1: {  	s3 =	sand.u32 $0x4000, s31;
	s1 =	sadd.s32 s1, s30  }
0xc2: {  	s0 =	sor.u32 s3, s0;
	s1 =	sshll.u32 s1, $0x11  }
0xc3: {  	s0 =	sor.u32 s1, s0  }
0xc4: {  	s0 =	sadd.s32 $0x8F2B, s0  }
0xc5: {  	[sflag:s0] =	ssyncadd.remote.s32 $0x1  }
0xc6: {  	_ =	sfence.sel $0xFFFF  }
0xc7: {  	[dreg:$0x0] =	wrdreg $0xFFFFFFFF;
	(pc) =	sbr.abs _section_cstart, $3  }
0xc8: {  	[dreg:$0x1] =	wrdreg $0xFFFFFFFF  }
0xc9: {  	_ =	task.clear_ibuf [dreg:s7], $0x2FFFF;
	_ =	strace $0x9FFFFFFF  }
0xca: {  	(tm) =	ssettm $0x7FFFFFFF  }
0xcb: {  	_ =	shalt  }
tec
execute0_lowered:
.L_overlay_start_1:
0x0: {  	(tag) =	ssettag $0x1  }
0x1: {  	s5 =	rddreg [dreg:$0x0]  }
0x2: {  	s7 =	rddreg [dreg:$0x1]  }
0x3: {  	s2 =	rddreg [dreg:$0x2]  }
0x4: {  	s0 =	srdreg.scid;
	s3 =	rddreg [dreg:$0x3]  }
0x5: {  	s4 =	simm.s32 $0x0;
	s16 =	simm.s32 $0x80;
	s17 =	simm.s32 $0x5000  }
0x6: {  	s18 =	simm.s32 $0x6000;
	s19 =	simm.s32 $0x1;
	s20 =	simm.s32 $0x2  }
0x7: {  	s21 =	simm.s32 $0x2780;
	s6 =	sand.u32 $0x1, s0;
	s0 =	stileid.u32  }
0x8: {  	s22 =	simm.s32 $0x4F00;
	s23 =	simm.s32 $0x4F80;
	s9 =	smul.u32 $0x5000, s0  }
0x9: {  	s24 =	simm.s32 $0x0;
	[smem:$0x7FF] =	sst s4;
	s10 =	smul.u32 $0x50000, s6  }
0xa: {  	s1 =	sshll.u32 s6, $0x4;
	s6 =	ssub.s32 $0x2, s6;
	s13 =	smul.u32 $0x4E20, s0  }
0xb: {  	s30 =	sshll.u32 s0, $0x6;
	s1 =	sor.u32 s0, s1;
	s12 =	sshrl.u32 s6, $0x1  }
0xc: {  	s8 =	smul.u32 $0x500, s1;
	s1 =	rddreg [dreg:$0x4];
	_ =	strace $0x80000050  }
0xd: {  	s29 =	sshrl.u32 s9, $0x3;
	s10 =	sadd.s32 s9, s10;
	s12 =	ssub.s32 s6, s12  }
0xe: {  	s14 =	sadd.s32 s9, s2;
	s6 =	sor.u32 $0x1C03, s30;
	s15 =	sadd.s32 s13, s3  }
0xf: {  	s31 =	sshrl.u32 s13, $0x3;
	s13 =	simm.s32 $0x3;
	s10 =	sshrl.u32 s10, $0x3  }
0x10: {  	s7 =	sadd.s32 s7, s31;
	s11 =	sadd.s32 s8, s5;
	s8 =	sadd.s32 s29, s5  }
0x11: {  	s10 =	sadd.s32 s10, s5;
	s5 =	sadd.s32 $0x16E00, s8;
	s8 =	sadd.s32 $0xCE00, s11  }
0x12: {  	s9 =	sadd.s32 $0x2C00, s11;
	s10 =	sadd.s32 $0x20E00, s10;
	s11 =	smax.u32 s12, $0x1  }
0x13: {  	s12 =	sshrl.u32 s14, $0x3;
	s14 =	sshrl.u32 s15, $0x3;
	s15 =	simm.s32 $0x2800  }
.LBB2_1:
0x14: {  	[spmem:s12], [sflag:s6] =	dma.local [hbm:s5], $0xA00  }
0x15: {  	_ =	swait.ge [sflag:s13], $0xA00  }
0x16: {  	[sflag:s13] =	ssyncset.done $0x0  }
0x17: {  	[sflag:s13] =	ssyncadd.s32 $0xFFFFF600  }
0x18: {  	[spmem:s14], [sflag:s6] =	dma.local [hbm:s7], $0x9C4  }
0x19: {  	_ =	swait.ge [sflag:s13], $0x9C4  }
0x1a: {  	[sflag:s13] =	ssyncset.done $0x0  }
0x1b: {  	[sflag:s13] =	ssyncadd.s32 $0xFFFFF63C  }
0x1c: {  	[tilespmem:s4], [sflag:$0x3] =	stream.linear.gather [hbm4b:s8+s4], $0x2800, $0x38;
	[tilespmem:$0x10E20] =	vst v63  }
0x1d: {  	_ =	swait.ge [sflag:s13], $0x2800  }
0x1e: {  	[sflag:s13] =	ssyncset.done $0x0  }
0x1f: {  	[sflag:s13] =	ssyncadd.s32 $0xFFFFD800  }
0x20: {  	[tilespmem:s15], [sflag:$0x3] =	stream.linear.gather [hbm4b:s9+s4], $0x2800, $0x38;
	[tilespmem:$0x10E20] =	vst v63  }
0x21: {  	_ =	swait.ge [sflag:s13], $0x2800  }
0x22: {  	[sflag:s13] =	ssyncset.done $0x0  }
0x23: {  	[sflag:s13] =	ssyncadd.s32 $0xFFFFD800  }
0x24: {  	[bflag:$0x0] =	sbarrier.arrive $0xFFFF  }
0x25: {  	[tilespmem:s17], [sflag:$0x1] =	stream.indirect.gather [spmem:s3], $0x20, s4, s16, $0xb8;
	[tilespmem:$0x10E20] =	vst v63  }
0x26: {  	s25 =	simm.s32 $0x80  }
0x27: {  	[tilespmem:s18], [sflag:$0x2] =	stream.indirect.gather [spmem:s3], $0x20, s25, s16, $0xb8;
	[tilespmem:$0x10E20] =	vst v63  }
0x28: {  	_ =	swait.ge [sflag:s19], $0x1000  }
0x29: {  	[sflag:s19] =	ssyncset.done $0x0  }
0x2a: {  	s29 =	simm.s32 $0x2800;
	[sflag:s19] =	ssyncadd.s32 $0xFFFFF000  }
0x2b: {  	[spmem:s2] =	stream.indirect.scatter.add.f32 [tilespmem:s17], [sflag:$0x3], $0x20, s29, s16, $0xb8;
	[tilespmem:$0x10E20] =	vst v63  }
0x2c: {  	_ =	swait.ge [sflag:s13], $0x1000  }
0x2d: {  	[sflag:s13] =	ssyncset.done $0x0  }
0x2e: {  	s30 =	simm.s32 $0x100;
	[sflag:s13] =	ssyncadd.s32 $0xFFFFF000  }
0x2f: {  	[tilespmem:s17], [sflag:$0x1] =	stream.indirect.gather [spmem:s3], $0x20, s30, s16, $0xb8;
	[tilespmem:$0x10E20] =	vst v63  }
0x30: {  	_ =	swait.ge [sflag:s20], $0x1000  }
0x31: {  	[sflag:s20] =	ssyncset.done $0x0  }
0x32: {  	s31 =	simm.s32 $0x2880;
	[sflag:s20] =	ssyncadd.s32 $0xFFFFF000  }
0x33: {  	[spmem:s2] =	stream.indirect.scatter.add.f32 [tilespmem:s18], [sflag:$0x3], $0x20, s31, s16, $0xb8;
	[tilespmem:$0x10E20] =	vst v63  }
0x34: {  	_ =	swait.ge [sflag:s13], $0x1000  }
0x35: {  	s26 =	simm.s32 $0x800;
	s25 =	simm.s32 $0x100;
	[sflag:s13] =	ssyncset.done $0x0  }
.LBB2_2:
0x36: {  	s28 =	sadd.s32 $0x80, s25  }
0x37: {  	[sflag:s13] =	ssyncadd.s32 $0xFFFFF000;
	s29 =	smov.u32 s26;
	s30 =	sadd.s32 $0x400, s26  }
0x38: {  	[tilespmem:s18], [sflag:$0x2] =	stream.indirect.gather [spmem:s3], $0x20, s28, s16, $0xb8;
	[tilespmem:$0x10E20] =	vst v63  }
0x39: {  	p0 =	sne.s32 s26, $0x9800;
	_ =	swait.ge [sflag:s19], $0x1000  }
0x3a: {  	[sflag:s19] =	ssyncset.done $0x0  }
0x3b: {  	s26 =	sadd.s32 $0x2800, s25;
	[sflag:s19] =	ssyncadd.s32 $0xFFFFF000  }
0x3c: {  	[spmem:s2] =	stream.indirect.scatter.add.f32 [tilespmem:s17], [sflag:$0x3], $0x20, s26, s16, $0xb8;
	[tilespmem:$0x10E20] =	vst v63  }
0x3d: {  	_ =	swait.ge [sflag:s13], $0x1000  }
0x3e: {  	[sflag:s13] =	ssyncset.done $0x0  }
0x3f: {  	s26 =	sadd.s32 $0x100, s25;
	[sflag:s13] =	ssyncadd.s32 $0xFFFFF000  }
0x40: {  	[tilespmem:s17], [sflag:$0x1] =	stream.indirect.gather [spmem:s3], $0x20, s26, s16, $0xb8;
	[tilespmem:$0x10E20] =	vst v63  }
0x41: {  	_ =	swait.ge [sflag:s20], $0x1000  }
.Ltmp0:
0x42: {  	[sflag:s20] =	ssyncset.done $0x0;
	(pc) =	sbr.rel @p0 .LBB2_2-.Ltmp0, $4  }
0x43: {  	s25 =	sadd.s32 $0x2880, s25;
	[sflag:s20] =	ssyncadd.s32 $0xFFFFF000  }
0x44: {  	[spmem:s2] =	stream.indirect.scatter.add.f32 [tilespmem:s18], [sflag:$0x3], $0x20, s25, s16, $0xb8;
	[tilespmem:$0x10E20] =	vst v63  }
0x45: {  	_ =	swait.ge [sflag:s13], $0x1000  }
0x46: {  	s26 =	smov.u32 s30;
	s25 =	sshra.s32 s29, $0x2;
	[sflag:s13] =	ssyncset.done $0x0  }
0x47: {  	s26 =	sadd.s32 $0x80, s25;
	[sflag:s13] =	ssyncadd.s32 $0xFFFFF000  }
0x48: {  	[tilespmem:s18], [sflag:$0x2] =	stream.indirect.gather [spmem:s3], $0x20, s26, s16, $0xb8;
	[tilespmem:$0x10E20] =	vst v63  }
0x49: {  	_ =	swait.ge [sflag:s19], $0x1000  }
0x4a: {  	[sflag:s19] =	ssyncset.done $0x0  }
0x4b: {  	s29 =	sadd.s32 $0x2800, s25;
	[sflag:s19] =	ssyncadd.s32 $0xFFFFF000  }
0x4c: {  	[spmem:s2] =	stream.indirect.scatter.add.f32 [tilespmem:s17], [sflag:$0x3], $0x20, s29, s16, $0xb8;
	[tilespmem:$0x10E20] =	vst v63  }
0x4d: {  	_ =	swait.ge [sflag:s13], $0x1000  }
0x4e: {  	[sflag:s13] =	ssyncset.done $0x0  }
0x4f: {  	s30 =	sadd.s32 $0x100, s25;
	[sflag:s13] =	ssyncadd.s32 $0xFFFFF000  }
0x50: {  	[tilespmem:s17], [sflag:$0x1] =	stream.indirect.gather [spmem:s3], $0x20, s30, s16, $0xb8;
	[tilespmem:$0x10E20] =	vst v63  }
0x51: {  	_ =	swait.ge [sflag:s20], $0x1000  }
0x52: {  	[sflag:s20] =	ssyncset.done $0x0  }
0x53: {  	s31 =	sadd.s32 $0x2880, s25;
	[sflag:s20] =	ssyncadd.s32 $0xFFFFF000  }
0x54: {  	[spmem:s2] =	stream.indirect.scatter.add.f32 [tilespmem:s18], [sflag:$0x3], $0x20, s31, s16, $0xb8;
	[tilespmem:$0x10E20] =	vst v63  }
0x55: {  	_ =	swait.ge [sflag:s13], $0x1000  }
0x56: {  	[sflag:s13] =	ssyncset.done $0x0  }
0x57: {  	[sflag:s13] =	ssyncadd.s32 $0xFFFFF000  }
0x58: {  	[tilespmem:s18], [sflag:$0x2] =	stream.indirect.gather [spmem:s3], $0x20, s21, s16, $0xb8;
	[tilespmem:$0x10E20] =	vst v63  }
0x59: {  	_ =	swait.ge [sflag:s19], $0x1000  }
0x5a: {  	[sflag:s19] =	ssyncset.done $0x0  }
0x5b: {  	[sflag:s19] =	ssyncadd.s32 $0xFFFFF000  }
0x5c: {  	[spmem:s2] =	stream.indirect.scatter.add.f32 [tilespmem:s17], [sflag:$0x3], $0x20, s22, s16, $0xb8;
	[tilespmem:$0x10E20] =	vst v63  }
0x5d: {  	_ =	swait.ge [sflag:s13], $0x1000  }
0x5e: {  	[sflag:s13] =	ssyncset.done $0x0  }
0x5f: {  	[sflag:s13] =	ssyncadd.s32 $0xFFFFF000  }
0x60: {  	_ =	swait.ge [sflag:s20], $0x1000  }
0x61: {  	[sflag:s20] =	ssyncset.done $0x0  }
0x62: {  	[sflag:s20] =	ssyncadd.s32 $0xFFFFF000  }
0x63: {  	[spmem:s2] =	stream.indirect.scatter.add.f32 [tilespmem:s18], [sflag:$0x3], $0x20, s23, s16, $0xb8;
	[tilespmem:$0x10E20] =	vst v63  }
0x64: {  	_ =	swait.ge [sflag:s13], $0x1000  }
0x65: {  	s24 =	sadd.s32 $0x1, s24;
	[sflag:s13] =	ssyncset.done $0x0  }
0x66: {  	p0 =	sne.s32 s24, s11;
	[sflag:s13] =	ssyncadd.s32 $0xFFFFF000  }
.Ltmp1:
0x67: {  	[bflag:$0x0] =	sbarrier.arrive $0xFFFF;
	(pc) =	sbr.rel @p0 .LBB2_1-.Ltmp1, $4  }
0x68: {  	[hbm:s10], [sflag:s6] =	dma.local [spmem:s12], $0xA00  }
0x69: {  	_ =	swait.ge [sflag:s13], $0xA00  }
0x6a: {  	[sflag:s13] =	ssyncset.done $0x0  }
0x6b: {  	[sflag:s13] =	ssyncadd.s32 $0xFFFFF600  }
0x6c: {  	_ =	sfence.sel $0x180000  }
0x6d: {  	[bflag:$0x0] =	sbarrier.arrive $0xFFFF  }
0x6e: {  	p0 =	sne.s32 s0, $0x0;
	_ =	strace $0x90000050  }
0x6f: {  	s0 =	sadd.s32 @!p0 $0x100000, s1;
	[bflag:$0x2] =	sbarrier.arrive $0xFFFF  }
0x70: {  	[sflag:s0] =	ssyncadd.tile.s32 @!p0 $0x1;
	_ =	shalt  }
.Lfunc_end2:
_tile_overlayer_lowered:
.L_overlay_start_2:
0x71: {  	(tag) =	ssettag $0x2  }
0x72: {  	s0 =	rddreg [dreg:$0x0];
	s2 =	stileid.u32  }
0x73: {  	s1 =	rddreg [dreg:$0x1];
	p0 =	sne.s32 s2, $0x0  }
0x74: {  	s3 =	rddreg [dreg:$0x2];
	[bflag:$0x3] =	sbarrier.arrive $0xFFFF;
	s2 =	simm.s32 @!p0 $0x1C03  }
0x75: {  	[timem:s3], [sflag:s2] =	dma.local @!p0 [hbm:s0], s1  }
0x76: {  	s0 =	simm.s32 @!p0 $0x3  }
0x77: {  	_ =	swait.ge @!p0 [sflag:s0], s1  }
0x78: {  	s1 =	ssub.s32 @!p0 $0x0, s1;
	[sflag:s0] =	ssyncset.done @!p0 $0x0  }
0x79: {  	[sflag:s0] =	ssyncadd.s32 @!p0 s1  }
0x7a: {  	[bflag:$0x3] =	sbarrier.arrive $0xFFFF  }
0x7b: {  	_ =	shalt  }

</sc_bundles>
